<compile_context>
chip_gen: v7x
topology: tpu7x:2x2x1
jax: 0.10.2.dev20260603
libtpu: 0.0.44.dev20260713+nightly
codegen_flags: <defaults>
</compile_context>

<pallas_src>
import functools

import jax
import jax.numpy as jnp
import numpy as np
from jax import lax
from jax.experimental import pallas as pl
from jax.experimental.pallas import tpu as pltpu
from jax.experimental.pallas import tpu_sc as plsc

_H = 128
_NUM_LEVELS = 8
_F32 = jnp.float32
_BF16 = jnp.bfloat16
_BN_INV = np.float32(1.0 / np.sqrt(1.0 + 1e-5))


def _dot32(a, w):
    return jnp.dot(a, w, preferred_element_type=_F32)


def _sigmoid(x):
    return 0.5 * (jnp.tanh(0.5 * x) + 1.0)



def _fold_mlp(p, bn=False):
    W1, b1 = p['W1'], p['b1']
    W2, b2, W3, b3 = p['W2'], p['b2'], p['W3'], p['b3']
    if bn:
        s1 = p['g1'] * _BN_INV
        b1 = s1 * b1 + p['be1']
        W1 = W1 * s1[:, None]
        s2 = p['g2'] * _BN_INV
        b2 = s2 * b2 + p['be2']
        W2 = W2 * s2[:, None]
    return W1.T, b1, W2.T, b2, W3.T, b3


def _fold_all(params):
    mlps = [params['aggr_and_strc'], params['aggr_not_strc'],
            params['aggr_and_func'], params['aggr_not_func']]
    grus = [params['update_and_strc'], params['update_not_strc'],
            params['update_and_func'], params['update_not_func']]
    W1s = jnp.stack([mlps[0]['W1'], mlps[1]['W1'],
                     mlps[2]['W1'][:, :_H], mlps[3]['W1'][:, :_H]])
    b1s = jnp.stack([mlps[0]['b1'], mlps[1]['b1'],
                     mlps[2]['b1'] + mlps[2]['W1'][:, _H:].sum(1),
                     mlps[3]['b1'] + mlps[3]['W1'][:, _H:].sum(1)])
    W2s = jnp.stack([m['W2'] for m in mlps])
    b2s = jnp.stack([m['b2'] for m in mlps])
    W3s = jnp.stack([m['W3'] for m in mlps])
    b3s = jnp.stack([m['b3'] for m in mlps])
    Wihs = jnp.stack([g['W_ih'] for g in grus])
    ghcs = (jnp.stack([g['W_hh'] for g in grus]).sum(-1)
            + jnp.stack([g['b_hh'] for g in grus]))
    betas = jnp.stack([g['b_ih'] for g in grus]) + jnp.einsum(
        'tgk,tk->tg', Wihs, b3s, precision=lax.Precision.HIGHEST)
    betas = betas.at[:, :2 * _H].add(ghcs[:, :2 * _H])
    cn = ghcs[:, None, 2 * _H:]

    W1cat = W1s.transpose(2, 0, 1).reshape(_H, 4 * _H)
    W2 = jnp.swapaxes(W2s, 1, 2)
    Wc = jnp.swapaxes(jnp.einsum('tgo,tok->tgk', Wihs, W3s,
                                  precision=lax.Precision.HIGHEST),
                      1, 2)
    b1 = b1s[:, None, :]
    b2 = b2s[:, None, :]
    beta = betas[:, None, :]

    Wp1, bp1, Wp2, bp2, Wp3, bp3 = _fold_mlp(params['readout_prob'], bn=True)
    prob_w = (Wp1, bp1[None, :], Wp2, bp2[None, :], Wp3, bp3[None, :])

    Wr1, br1, Wr2, br2, Wr3, br3 = _fold_mlp(params['readout_rc'], bn=True)
    rc_w = (Wr1[:_H], Wr1[_H:], br1[None, :], Wr2, br2[None, :], Wr3, br3[None, :])
    return (W1cat, b1, W2, b2, Wc, beta, cn), prob_w, rc_w



def _eye128():
    r = lax.broadcasted_iota(jnp.int32, (_H, _H), 0)
    c = lax.broadcasted_iota(jnp.int32, (_H, _H), 1)
    return (r == c).astype(_F32)


def _main_body(x_ref, sel_ref,
               W1_ref, b1_ref, W2_ref, b2_ref, Wc_ref, beta_ref, cn_ref,
               Wp1_ref, bp1_ref, Wp2_ref, bp2_ref, Wp3_ref, bp3_ref,
               hs_ref, hf_ref, prob_ref, hs2_ref):
    xb = x_ref[...]
    ident = _eye128()
    mb = sel_ref[0]
    mt = lax.dot_general(ident, mb, (((1,), (1,)), ((), ())),
                         preferred_element_type=_F32)
    nchunk = mb.shape[0]
    c = jnp.concatenate([mt[:, s:s + 1] for s in range(nchunk)], axis=0)
    m_and = c == 1.0
    m_not = c == 2.0

    h1all = _dot32(xb, W1_ref[...])
    outs = []
    for t in range(4):
        h = jnp.maximum(h1all[:, t * _H:(t + 1) * _H] + b1_ref[t], 0.0)
        h = jnp.maximum(_dot32(h, W2_ref[t]) + b2_ref[t], 0.0)
        gi = _dot32(h, Wc_ref[t]) + beta_ref[t]
        r = _sigmoid(gi[:, :_H])
        z = _sigmoid(gi[:, _H:2 * _H])
        n = jnp.tanh(gi[:, 2 * _H:] + r * cn_ref[t])
        outs.append((1.0 - z) * n + z)

    hs = jnp.where(m_and, outs[0], jnp.where(m_not, outs[1], 1.0))
    hf = jnp.where(m_and, outs[2], jnp.where(m_not, outs[3], 1.0))
    hs_ref[...] = hs
    hf_ref[...] = hf
    hs2_ref[...] = hs

    ph = jnp.maximum(_dot32(hf, Wp1_ref[...]) + bp1_ref[...], 0.0)
    ph = jnp.maximum(_dot32(ph, Wp2_ref[...]) + bp2_ref[...], 0.0)
    p_col = _dot32(ph, Wp3_ref[...]) + bp3_ref[...]
    chunks = [lax.dot_general(p_col[s * _H:(s + 1) * _H, :], ident,
                              (((0,), (0,)), ((), ())),
                              preferred_element_type=_F32)
              for s in range(nchunk)]
    prob_ref[...] = jnp.concatenate(chunks, axis=1)


def _full_spec(shape):
    nd = len(shape)
    return pl.BlockSpec(shape, lambda i, _nd=nd: (0,) * _nd)


def _main_call(x, sel3, pipe_w, prob_w, block_n):
    n = x.shape[0]
    nb = sel3.shape[0]
    grid = (nb,)
    weights = list(pipe_w) + list(prob_w)
    in_specs = [
        pl.BlockSpec((block_n, _H), lambda i: (i, 0)),
        pl.BlockSpec((1, block_n // _H, _H), lambda i: (i, 0, 0)),
    ] + [_full_spec(w.shape) for w in weights]
    out_specs = [
        pl.BlockSpec((block_n, _H), lambda i: (i, 0)),
        pl.BlockSpec((block_n, _H), lambda i: (i, 0)),
        pl.BlockSpec((1, block_n), lambda i: (0, i)),
        pl.BlockSpec((block_n, _H), lambda i: (i, 0)),
    ]
    out_shape = [
        jax.ShapeDtypeStruct((n, _H), _F32),
        jax.ShapeDtypeStruct((n, _H), _F32),
        jax.ShapeDtypeStruct((1, nb * block_n), _F32),
        jax.ShapeDtypeStruct((n, _H), _F32),
    ]
    return pl.pallas_call(
        _main_body,
        grid=grid,
        in_specs=in_specs,
        out_specs=out_specs,
        out_shape=out_shape,
        compiler_params=pltpu.CompilerParams(
            dimension_semantics=("arbitrary",)),
    )(x, sel3, *weights)



@functools.cache
def _make_sc_gather(num_rows, d):
    info = plsc.get_sparse_core_info()
    nw = info.num_cores * info.num_subcores
    b_per_w = num_rows // nw
    mesh = plsc.VectorSubcoreMesh(core_axis_name="c", subcore_axis_name="s")

    @functools.partial(
        pl.kernel,
        out_type=jax.ShapeDtypeStruct((num_rows, d), _F32),
        mesh=mesh,
        scratch_types=[
            pltpu.VMEM((b_per_w,), jnp.int32),
            pltpu.VMEM((b_per_w, d), _F32),
            pltpu.SemaphoreType.DMA,
        ],
    )
    def gather(table_hbm, idx_hbm, out_hbm, idx_v, rows_v, sem):
        wid = lax.axis_index("s") * info.num_cores + lax.axis_index("c")
        base = wid * b_per_w
        pltpu.sync_copy(idx_hbm.at[pl.ds(base, b_per_w)], idx_v)
        pltpu.async_copy(table_hbm.at[idx_v], rows_v, sem).wait()
        pltpu.sync_copy(rows_v, out_hbm.at[pl.ds(base, b_per_w)])

    return gather



def _rc_body(u_ref, v_ref, A1_ref, B1_ref, b1_ref, W2_ref, b2_ref,
             W3_ref, b3_ref, out_ref):
    h = _dot32(u_ref[...], A1_ref[...]) + _dot32(v_ref[...], B1_ref[...]) + b1_ref[...]
    h = jnp.maximum(h, 0.0)
    h = jnp.maximum(_dot32(h, W2_ref[...]) + b2_ref[...], 0.0)
    out_ref[...] = _sigmoid(_dot32(h, W3_ref[...]) + b3_ref[...])


def _rc_call(rows, p, rc_w, block_p):
    grid = (p // block_p,)
    voff = p // block_p
    in_specs = [
        pl.BlockSpec((block_p, _H), lambda i: (i, 0)),
        pl.BlockSpec((block_p, _H), lambda i, _v=voff: (i + _v, 0)),
    ] + [_full_spec(w.shape) for w in rc_w]
    return pl.pallas_call(
        _rc_body,
        grid=grid,
        in_specs=in_specs,
        out_specs=pl.BlockSpec((block_p, 1), lambda i: (i, 0)),
        out_shape=jax.ShapeDtypeStruct((p, 1), _F32),
        compiler_params=pltpu.CompilerParams(
            dimension_semantics=("arbitrary",)),
    )(rows, rows, *rc_w)


def _pick_block(n, target, align=8):
    b = min(target, n)
    b -= b % align
    while b > align and (n % b or b % align):
        b -= align
    return max(b, align)


def kernel(x, forward_level, gate, rc_pair_index, params):
    n = x.shape[0]
    p = rc_pair_index.shape[1]
    pipe_w, prob_w, rc_w = _fold_all(params)
    fl = forward_level.astype(jnp.int32)
    g = gate.astype(jnp.int32)
    act = (fl >= 1) & (fl <= _NUM_LEVELS - 1)
    sel_f = jnp.where(act, g, 0).astype(_F32)
    block_n = 32 * _H
    nb = -(-n // block_n)
    sel3 = jnp.pad(sel_f, (0, nb * block_n - n)).reshape(nb, block_n // _H, _H)

    hs, hf, prob_row, hs2 = _main_call(x, sel3, pipe_w, prob_w, block_n)
    prob = prob_row.reshape(-1)[:n].reshape(n, 1)

    info = plsc.get_sparse_core_info()
    align = 8 * info.num_cores * info.num_subcores
    idx = rc_pair_index.astype(jnp.int32).reshape(-1)
    pad = (-idx.shape[0]) % align
    if pad:
        idx = jnp.pad(idx, (0, pad))
    rows = _make_sc_gather(idx.shape[0], _H)(hs2, idx)

    block_p = _pick_block(p, 2000)
    is_rc = _rc_call(rows, p, rc_w, block_p)
    return (hs, hf, prob, is_rc)

# --- scband reference (transcript-rebuilt; emitter-appended) ---
"""Pipeline reference for scband-mlpgate-dgl-18004502904920 (READ-ONLY COPY).

The authoritative reference and input builder live on the scoring server;
editing this copy changes nothing except your own understanding.
"""

import jax, jax.numpy as jnp
import numpy as np

N = 100000
H = 128
DMLP = 128
NUM_LEVELS = 8
P = 10000
NUM_ROUNDS = 1


def _mlp_params(key, din, dmlp, dout, bn=False):
    ks = jax.random.split(key, 3)
    p = {'W1': jax.random.normal(ks[0], (dmlp, din), dtype=jnp.float32) * 0.05,
         'b1': jnp.zeros((dmlp,), dtype=jnp.float32),
         'W2': jax.random.normal(ks[1], (dmlp, dmlp), dtype=jnp.float32) * 0.05,
         'b2': jnp.zeros((dmlp,), dtype=jnp.float32),
         'W3': jax.random.normal(ks[2], (dout, dmlp), dtype=jnp.float32) * 0.05,
         'b3': jnp.zeros((dout,), dtype=jnp.float32)}
    if bn:
        p['g1'] = jnp.ones((dmlp,), dtype=jnp.float32)
        p['be1'] = jnp.zeros((dmlp,), dtype=jnp.float32)
        p['g2'] = jnp.ones((dmlp,), dtype=jnp.float32)
        p['be2'] = jnp.zeros((dmlp,), dtype=jnp.float32)
    return p


def _gru_params(key, h):
    ks = jax.random.split(key, 2)
    return {'W_ih': jax.random.normal(ks[0], (3 * h, h), dtype=jnp.float32) * 0.05,
            'W_hh': jax.random.normal(ks[1], (3 * h, h), dtype=jnp.float32) * 0.05,
            'b_ih': jnp.zeros((3 * h,), dtype=jnp.float32),
            'b_hh': jnp.zeros((3 * h,), dtype=jnp.float32)}


def _mlp_apply(p, x, bn=False, sig=False):
    inv = np.float32(1.0 / np.sqrt(1.0 + 1e-5))
    h = x @ p['W1'].T + p['b1']
    if bn:
        h = p['g1'] * h * inv + p['be1']
    h = jax.nn.relu(h)
    h = h @ p['W2'].T + p['b2']
    if bn:
        h = p['g2'] * h * inv + p['be2']
    h = jax.nn.relu(h)
    h = h @ p['W3'].T + p['b3']
    if sig:
        h = jax.nn.sigmoid(h)
    return h


def _gru_step(p, x, h):
    # single-step nn.GRU: x is the one-timestep input, h the initial hidden state
    gi = x @ p['W_ih'].T + p['b_ih']
    gh = h @ p['W_hh'].T + p['b_hh']
    i_r, i_z, i_n = jnp.split(gi, 3, axis=1)
    h_r, h_z, h_n = jnp.split(gh, 3, axis=1)
    r = jax.nn.sigmoid(i_r + h_r)
    z = jax.nn.sigmoid(i_z + h_z)
    n = jnp.tanh(i_n + r * h_n)
    return (1.0 - z) * n + z * h


def setup_inputs(seed: int = 0):
    key = jax.random.key(seed)
    ks = jax.random.split(key, 16)
    x = jax.random.normal(ks[0], (N, H), dtype=jnp.float32)
    forward_level = jax.random.randint(ks[1], (N,), 0, NUM_LEVELS)
    gate = jax.random.randint(ks[2], (N,), 0, 3)
    rc_pair_index = jax.random.randint(ks[3], (2, P), 0, N)
    params = {
        'aggr_and_strc': _mlp_params(ks[4], H, DMLP, H),
        'aggr_and_func': _mlp_params(ks[5], 2 * H, DMLP, H),
        'aggr_not_strc': _mlp_params(ks[6], H, DMLP, H),
        'aggr_not_func': _mlp_params(ks[7], 2 * H, DMLP, H),
        'update_and_strc': _gru_params(ks[8], H),
        'update_and_func': _gru_params(ks[9], H),
        'update_not_strc': _gru_params(ks[10], H),
        'update_not_func': _gru_params(ks[11], H),
        'readout_prob': _mlp_params(ks[12], H, DMLP, 1, bn=True),
        'readout_rc': _mlp_params(ks[13], 2 * H, DMLP, 1, bn=True),
    }
    return {'x': x, 'forward_level': forward_level, 'gate': gate,
            'rc_pair_index': rc_pair_index, 'params': params}


def reference(x, forward_level, gate, rc_pair_index, params):
    hs = jnp.ones((x.shape[0], H), dtype=jnp.float32)
    hf = jnp.ones((x.shape[0], H), dtype=jnp.float32)
    for _ in range(NUM_ROUNDS):
        for level in range(1, NUM_LEVELS):
            for gv in (1, 2):
                tag = 'and' if gv == 1 else 'not'
                mask = (forward_level == level) & (gate == gv)
                m = mask[:, None]
                msg = _mlp_apply(params['aggr_' + tag + '_strc'], x)
                new_hs = _gru_step(params['update_' + tag + '_strc'], msg, hs)
                hs = jnp.where(m, new_hs, hs)
                cat = jnp.concatenate([x, hf], axis=1)
                msgf = _mlp_apply(params['aggr_' + tag + '_func'], cat)
                new_hf = _gru_step(params['update_' + tag + '_func'], msgf, hf)
                hf = jnp.where(m, new_hf, hf)
    prob = _mlp_apply(params['readout_prob'], hf, bn=True)
    rc_emb = jnp.concatenate([hs[rc_pair_index[0]], hs[rc_pair_index[1]]], axis=1)
    is_rc = _mlp_apply(params['readout_rc'], rc_emb, bn=True, sig=True)
    return (hs, hf, prob, is_rc)

if __name__ == "__main__":
    import jax
    _d = setup_inputs()
    print(jax.jit(kernel)(*tuple(_d.values())))

</pallas_src>

<mosaic_0001>
#map = affine_map<(d0, d1) -> (0, 0)>
#map1 = affine_map<(d0, d1) -> (0)>
module attributes {stable_mosaic.version = 14 : i64} {
  func.func @gather(%arg0: i32, %arg1: i32, %arg2: memref<100000x128xf32, #tpu.memory_space<hbm>>, %arg3: memref<20224xi32, #tpu.memory_space<hbm>>, %arg4: memref<20224x128xf32, #tpu.memory_space<hbm>>, %arg5: memref<632xi32, #tpu.memory_space<vmem>>, %arg6: memref<632x128xf32, #tpu.memory_space<vmem>>, %arg7: memref<!tpu.dma_semaphore, #tpu.memory_space<semaphore_mem>>) attributes {dimension_semantics = [#tpu.dimension_semantics<core_parallel>, #tpu.dimension_semantics<subcore_parallel>], iteration_bounds = array<i64: 2, 16>, scalar_prefetch = 0 : i64, scratch_operands = 3 : i64, tpu.core_type = #tpu.core_type<sc_vector_subcore>, window_params = [{transform_indices = #map}, {transform_indices = #map1}, {transform_indices = #map}]} {
    %mul3A = arith.constant 2 : i32
    %mul3A_0 = arith.muli %arg1, %mul3A : i32
    %add3A = arith.addi %mul3A_0, %arg0 : i32
    %mul3A_1 = arith.constant 632 : i32
    %mul3A_2 = arith.muli %add3A, %mul3A_1 : i32
    "tpu.region"() ({
      %run_scoped3A = tpu.sem_alloc : memref<!tpu.dma_semaphore, #tpu.memory_space<semaphore_mem>>
      %dma_start3A_7 = tpu.memref_slice %arg3[%mul3A_2] : memref<20224xi32, #tpu.memory_space<hbm>> -> memref<632xi32, #tpu.memory_space<hbm>>
      %dma_start3A_8 = tpu.memref_slice %arg3[%mul3A_2] : memref<20224xi32, #tpu.memory_space<hbm>> -> memref<632xi32, #tpu.memory_space<hbm>>
      tpu.enqueue_dma source(%dma_start3A_8 : memref<632xi32, #tpu.memory_space<hbm>>) target(%arg5 : memref<632xi32, #tpu.memory_space<vmem>>) target_semaphore(%run_scoped3A : memref<!tpu.dma_semaphore, #tpu.memory_space<semaphore_mem>>)
      %dma_wait3A_9 = tpu.memref_slice %arg3[%mul3A_2] : memref<20224xi32, #tpu.memory_space<hbm>> -> memref<632xi32, #tpu.memory_space<hbm>>
      %dma_wait3A_10 = tpu.memref_slice %arg3[%mul3A_2] : memref<20224xi32, #tpu.memory_space<hbm>> -> memref<632xi32, #tpu.memory_space<hbm>>
      tpu.wait_dma2 semaphore(%run_scoped3A : memref<!tpu.dma_semaphore, #tpu.memory_space<semaphore_mem>>) src(%dma_wait3A_10 : memref<632xi32, #tpu.memory_space<hbm>>) dst(%arg5 : memref<632xi32, #tpu.memory_space<vmem>>)
      tpu.yield
    }) : () -> ()
    %dma_start3A = arith.constant 0 : i32
    %dma_start3A_3 = arith.constant 0 : i32
    %dma_start3A_4 = tpu.memref_slice %arg2[%dma_start3A, %dma_start3A_3] : memref<100000x128xf32, #tpu.memory_space<hbm>> -> memref<100000x128xf32, #tpu.memory_space<hbm>>
    tpu.enqueue_indirect_dma source(%dma_start3A_4 : memref<100000x128xf32, #tpu.memory_space<hbm>>) target(%arg6 : memref<632x128xf32, #tpu.memory_space<vmem>>) offsets(%arg5 : memref<632xi32, #tpu.memory_space<vmem>>) semaphore(%arg7 : memref<!tpu.dma_semaphore, #tpu.memory_space<semaphore_mem>>)
    %dma_wait3A = arith.constant 0 : i32
    %dma_wait3A_5 = arith.constant 0 : i32
    %dma_wait3A_6 = tpu.memref_slice %arg2[%dma_wait3A, %dma_wait3A_5] : memref<100000x128xf32, #tpu.memory_space<hbm>> -> memref<100000x128xf32, #tpu.memory_space<hbm>>
    tpu.wait_indirect_dma semaphore(%arg7 : memref<!tpu.dma_semaphore, #tpu.memory_space<semaphore_mem>>) src(%dma_wait3A_6 : memref<100000x128xf32, #tpu.memory_space<hbm>>) dst(%arg6 : memref<632x128xf32, #tpu.memory_space<vmem>>)
    "tpu.region"() ({
      %run_scoped3A = tpu.sem_alloc : memref<!tpu.dma_semaphore, #tpu.memory_space<semaphore_mem>>
      %dma_start3A_7 = arith.constant 0 : i32
      %dma_start3A_8 = tpu.memref_slice %arg4[%mul3A_2, %dma_start3A_7] : memref<20224x128xf32, #tpu.memory_space<hbm>> -> memref<632x128xf32, #tpu.memory_space<hbm>>
      %dma_start3A_9 = arith.constant 0 : i32
      %dma_start3A_10 = tpu.memref_slice %arg4[%mul3A_2, %dma_start3A_9] : memref<20224x128xf32, #tpu.memory_space<hbm>> -> memref<632x128xf32, #tpu.memory_space<hbm>>
      tpu.enqueue_dma source(%arg6 : memref<632x128xf32, #tpu.memory_space<vmem>>) target(%dma_start3A_10 : memref<632x128xf32, #tpu.memory_space<hbm>>) target_semaphore(%run_scoped3A : memref<!tpu.dma_semaphore, #tpu.memory_space<semaphore_mem>>)
      %dma_wait3A_11 = arith.constant 0 : i32
      %dma_wait3A_12 = tpu.memref_slice %arg4[%mul3A_2, %dma_wait3A_11] : memref<20224x128xf32, #tpu.memory_space<hbm>> -> memref<632x128xf32, #tpu.memory_space<hbm>>
      %dma_wait3A_13 = arith.constant 0 : i32
      %dma_wait3A_14 = tpu.memref_slice %arg4[%mul3A_2, %dma_wait3A_13] : memref<20224x128xf32, #tpu.memory_space<hbm>> -> memref<632x128xf32, #tpu.memory_space<hbm>>
      tpu.wait_dma2 semaphore(%run_scoped3A : memref<!tpu.dma_semaphore, #tpu.memory_space<semaphore_mem>>) src(%arg6 : memref<632x128xf32, #tpu.memory_space<vmem>>) dst(%dma_wait3A_14 : memref<632x128xf32, #tpu.memory_space<hbm>>)
      tpu.yield
    }) : () -> ()
    return
  }
}

module attributes {stable_mosaic.version = 14 : i64} {
  func.func @_rc_body(%arg0: i32, %arg1: memref<2000x128xf32, #tpu.memory_space<vmem>>, %arg2: memref<2000x128xf32, #tpu.memory_space<vmem>>, %arg3: memref<128x128xf32, #tpu.memory_space<vmem>>, %arg4: memref<128x128xf32, #tpu.memory_space<vmem>>, %arg5: memref<1x128xf32, #tpu.memory_space<vmem>>, %arg6: memref<128x128xf32, #tpu.memory_space<vmem>>, %arg7: memref<1x128xf32, #tpu.memory_space<vmem>>, %arg8: memref<128x1xf32, #tpu.memory_space<vmem>>, %arg9: memref<1x1xf32, #tpu.memory_space<vmem>>, %arg10: memref<2000x1xf32, #tpu.memory_space<vmem>>) attributes {dimension_semantics = [#tpu.dimension_semantics<arbitrary>], iteration_bounds = array<i64: 5>, scalar_prefetch = 0 : i64, scratch_operands = 0 : i64, tpu.core_type = #tpu.core_type<tc>, window_params = [{transform_indices = @transform_0, window_bounds = array<i64: 2000, 128>}, {transform_indices = @transform_1, window_bounds = array<i64: 2000, 128>}, {pipeline_mode = #tpu.pipeline_mode<synchronous>, transform_indices = @transform_2, window_bounds = array<i64: 128, 128>}, {pipeline_mode = #tpu.pipeline_mode<synchronous>, transform_indices = @transform_3, window_bounds = array<i64: 128, 128>}, {pipeline_mode = #tpu.pipeline_mode<synchronous>, transform_indices = @transform_4, window_bounds = array<i64: 1, 128>}, {pipeline_mode = #tpu.pipeline_mode<synchronous>, transform_indices = @transform_5, window_bounds = array<i64: 128, 128>}, {pipeline_mode = #tpu.pipeline_mode<synchronous>, transform_indices = @transform_6, window_bounds = array<i64: 1, 128>}, {pipeline_mode = #tpu.pipeline_mode<synchronous>, transform_indices = @transform_7, window_bounds = array<i64: 128, 1>}, {pipeline_mode = #tpu.pipeline_mode<synchronous>, transform_indices = @transform_8, window_bounds = array<i64: 1, 1>}, {transform_indices = @transform_9, window_bounds = array<i64: 2000, 1>}]} {
    %get3A = arith.constant 0 : index
    %get3A_0 = arith.constant 0 : index
    %get3A_1 = vector.load %arg1[%get3A, %get3A_0] : memref<2000x128xf32, #tpu.memory_space<vmem>>, vector<2000x128xf32>
    %get3A_2 = arith.constant 0 : index
    %get3A_3 = arith.constant 0 : index
    %get3A_4 = vector.load %arg3[%get3A_2, %get3A_3] : memref<128x128xf32, #tpu.memory_space<vmem>>, vector<128x128xf32>
    %dot_general3A = arith.constant dense<0.000000e+00> : vector<2000x128xf32>
    %dot_general3A_5 = tpu.matmul %get3A_1, %get3A_4, %dot_general3A {dimension_numbers = #tpu.dot_dimension_numbers<[1], [0], [0], [1], [0, 0, 1, 1], [], []>, transpose_lhs_hint = false} : vector<2000x128xf32>, vector<128x128xf32>, vector<2000x128xf32> -> vector<2000x128xf32>
    %get3A_6 = arith.constant 0 : index
    %get3A_7 = arith.constant 0 : index
    %get3A_8 = vector.load %arg2[%get3A_6, %get3A_7] : memref<2000x128xf32, #tpu.memory_space<vmem>>, vector<2000x128xf32>
    %get3A_9 = arith.constant 0 : index
    %get3A_10 = arith.constant 0 : index
    %get3A_11 = vector.load %arg4[%get3A_9, %get3A_10] : memref<128x128xf32, #tpu.memory_space<vmem>>, vector<128x128xf32>
    %dot_general3A_12 = arith.constant dense<0.000000e+00> : vector<2000x128xf32>
    %dot_general3A_13 = tpu.matmul %get3A_8, %get3A_11, %dot_general3A_12 {dimension_numbers = #tpu.dot_dimension_numbers<[1], [0], [0], [1], [0, 0, 1, 1], [], []>, transpose_lhs_hint = false} : vector<2000x128xf32>, vector<128x128xf32>, vector<2000x128xf32> -> vector<2000x128xf32>
    %add3A = arith.addf %dot_general3A_5, %dot_general3A_13 : vector<2000x128xf32>
    %get3A_14 = arith.constant 0 : index
    %get3A_15 = arith.constant 0 : index
    %get3A_16 = vector.load %arg5[%get3A_14, %get3A_15] : memref<1x128xf32, #tpu.memory_space<vmem>>, vector<1x128xf32>
    %add3A_17 = vector.broadcast %get3A_16 : vector<1x128xf32> to vector<2000x128xf32>
    %add3A_18 = arith.addf %add3A, %add3A_17 : vector<2000x128xf32>
    %max3A = arith.constant 0.000000e+00 : f32
    %max3A_19 = vector.broadcast %max3A : f32 to vector<2000x128xf32>
    %max3A_20 = arith.maximumf %add3A_18, %max3A_19 : vector<2000x128xf32>
    %get3A_21 = arith.constant 0 : index
    %get3A_22 = arith.constant 0 : index
    %get3A_23 = vector.load %arg6[%get3A_21, %get3A_22] : memref<128x128xf32, #tpu.memory_space<vmem>>, vector<128x128xf32>
    %dot_general3A_24 = arith.constant dense<0.000000e+00> : vector<2000x128xf32>
    %dot_general3A_25 = tpu.matmul %max3A_20, %get3A_23, %dot_general3A_24 {dimension_numbers = #tpu.dot_dimension_numbers<[1], [0], [0], [1], [0, 0, 1, 1], [], []>, transpose_lhs_hint = false} : vector<2000x128xf32>, vector<128x128xf32>, vector<2000x128xf32> -> vector<2000x128xf32>
    %get3A_26 = arith.constant 0 : index
    %get3A_27 = arith.constant 0 : index
    %get3A_28 = vector.load %arg7[%get3A_26, %get3A_27] : memref<1x128xf32, #tpu.memory_space<vmem>>, vector<1x128xf32>
    %add3A_29 = vector.broadcast %get3A_28 : vector<1x128xf32> to vector<2000x128xf32>
    %add3A_30 = arith.addf %dot_general3A_25, %add3A_29 : vector<2000x128xf32>
    %max3A_31 = arith.constant 0.000000e+00 : f32
    %max3A_32 = vector.broadcast %max3A_31 : f32 to vector<2000x128xf32>
    %max3A_33 = arith.maximumf %add3A_30, %max3A_32 : vector<2000x128xf32>
    %get3A_34 = arith.constant 0 : index
    %get3A_35 = arith.constant 0 : index
    %get3A_36 = vector.load %arg8[%get3A_34, %get3A_35] : memref<128x1xf32, #tpu.memory_space<vmem>>, vector<128x1xf32>
    %dot_general3A_37 = arith.constant dense<0.000000e+00> : vector<2000x1xf32>
    %dot_general3A_38 = tpu.matmul %max3A_33, %get3A_36, %dot_general3A_37 {dimension_numbers = #tpu.dot_dimension_numbers<[1], [0], [0], [1], [0, 0, 1, 1], [], []>, transpose_lhs_hint = false} : vector<2000x128xf32>, vector<128x1xf32>, vector<2000x1xf32> -> vector<2000x1xf32>
    %get3A_39 = arith.constant 0 : index
    %get3A_40 = arith.constant 0 : index
    %get3A_41 = vector.load %arg9[%get3A_39, %get3A_40] : memref<1x1xf32, #tpu.memory_space<vmem>>, vector<1x1xf32>
    %add3A_42 = vector.broadcast %get3A_41 : vector<1x1xf32> to vector<2000x1xf32>
    %add3A_43 = arith.addf %dot_general3A_38, %add3A_42 : vector<2000x1xf32>
    %mul3A = arith.constant 5.000000e-01 : f32
    %mul3A_44 = vector.broadcast %mul3A : f32 to vector<2000x1xf32>
    %mul3A_45 = arith.mulf %mul3A_44, %add3A_43 : vector<2000x1xf32>
    %tanh3A = math.tanh %mul3A_45 : vector<2000x1xf32>
    %add3A_46 = arith.constant 1.000000e+00 : f32
    %add3A_47 = vector.broadcast %add3A_46 : f32 to vector<2000x1xf32>
    %add3A_48 = arith.addf %tanh3A, %add3A_47 : vector<2000x1xf32>
    %mul3A_49 = arith.constant 5.000000e-01 : f32
    %mul3A_50 = vector.broadcast %mul3A_49 : f32 to vector<2000x1xf32>
    %mul3A_51 = arith.mulf %mul3A_50, %add3A_48 : vector<2000x1xf32>
    %swap3A = arith.constant 0 : index
    %swap3A_52 = arith.constant 0 : index
    %swap3A_53 = vector.load %arg10[%swap3A, %swap3A_52] : memref<2000x1xf32, #tpu.memory_space<vmem>>, vector<2000x1xf32>
    tpu.vector_store %arg10[%swap3A, %swap3A_52], %mul3A_51 {strides = array<i32>} : memref<2000x1xf32, #tpu.memory_space<vmem>>, vector<2000x1xf32>,
    return
  }
  func.func @transform_0(%arg0: i32) -> (i32, i32) {
    %c0_i32 = arith.constant 0 : i32
    %c0_i32_0 = arith.constant 0 : i32
    return %arg0, %c0_i32 : i32, i32
  }
  func.func @transform_1(%arg0: i32) -> (i32, i32) {
    %add3A = arith.constant 5 : i32
    %add3A_0 = arith.addi %arg0, %add3A : i32
    %c0_i32 = arith.constant 0 : i32
    %c0_i32_1 = arith.constant 0 : i32
    return %add3A_0, %c0_i32 : i32, i32
  }
  func.func @transform_2(%arg0: i32) -> (i32, i32) {
    %c0_i32 = arith.constant 0 : i32
    %c0_i32_0 = arith.constant 0 : i32
    %c0_i32_1 = arith.constant 0 : i32
    return %c0_i32, %c0_i32_0 : i32, i32
  }
  func.func @transform_3(%arg0: i32) -> (i32, i32) {
    %c0_i32 = arith.constant 0 : i32
    %c0_i32_0 = arith.constant 0 : i32
    %c0_i32_1 = arith.constant 0 : i32
    return %c0_i32, %c0_i32_0 : i32, i32
  }
  func.func @transform_4(%arg0: i32) -> (i32, i32) {
    %c0_i32 = arith.constant 0 : i32
    %c0_i32_0 = arith.constant 0 : i32
    %c0_i32_1 = arith.constant 0 : i32
    return %c0_i32, %c0_i32_0 : i32, i32
  }
  func.func @transform_5(%arg0: i32) -> (i32, i32) {
    %c0_i32 = arith.constant 0 : i32
    %c0_i32_0 = arith.constant 0 : i32
    %c0_i32_1 = arith.constant 0 : i32
    return %c0_i32, %c0_i32_0 : i32, i32
  }
  func.func @transform_6(%arg0: i32) -> (i32, i32) {
    %c0_i32 = arith.constant 0 : i32
    %c0_i32_0 = arith.constant 0 : i32
    %c0_i32_1 = arith.constant 0 : i32
    return %c0_i32, %c0_i32_0 : i32, i32
  }
  func.func @transform_7(%arg0: i32) -> (i32, i32) {
    %c0_i32 = arith.constant 0 : i32
    %c0_i32_0 = arith.constant 0 : i32
    %c0_i32_1 = arith.constant 0 : i32
    return %c0_i32, %c0_i32_0 : i32, i32
  }
  func.func @transform_8(%arg0: i32) -> (i32, i32) {
    %c0_i32 = arith.constant 0 : i32
    %c0_i32_0 = arith.constant 0 : i32
    %c0_i32_1 = arith.constant 0 : i32
    return %c0_i32, %c0_i32_0 : i32, i32
  }
  func.func @transform_9(%arg0: i32) -> (i32, i32) {
    %c0_i32 = arith.constant 0 : i32
    %c0_i32_0 = arith.constant 0 : i32
    return %arg0, %c0_i32 : i32, i32
  }
}

module attributes {stable_mosaic.version = 14 : i64} {
  func.func @_main_body(%arg0: i32, %arg1: memref<4096x128xf32, #tpu.memory_space<vmem>>, %arg2: memref<1x32x128xf32, #tpu.memory_space<vmem>>, %arg3: memref<128x512xf32, #tpu.memory_space<vmem>>, %arg4: memref<4x1x128xf32, #tpu.memory_space<vmem>>, %arg5: memref<4x128x128xf32, #tpu.memory_space<vmem>>, %arg6: memref<4x1x128xf32, #tpu.memory_space<vmem>>, %arg7: memref<4x128x384xf32, #tpu.memory_space<vmem>>, %arg8: memref<4x1x384xf32, #tpu.memory_space<vmem>>, %arg9: memref<4x1x128xf32, #tpu.memory_space<vmem>>, %arg10: memref<128x128xf32, #tpu.memory_space<vmem>>, %arg11: memref<1x128xf32, #tpu.memory_space<vmem>>, %arg12: memref<128x128xf32, #tpu.memory_space<vmem>>, %arg13: memref<1x128xf32, #tpu.memory_space<vmem>>, %arg14: memref<128x1xf32, #tpu.memory_space<vmem>>, %arg15: memref<1x1xf32, #tpu.memory_space<vmem>>, %arg16: memref<4096x128xf32, #tpu.memory_space<vmem>>, %arg17: memref<4096x128xf32, #tpu.memory_space<vmem>>, %arg18: memref<1x4096xf32, #tpu.memory_space<vmem>>, %arg19: memref<4096x128xf32, #tpu.memory_space<vmem>>) attributes {dimension_semantics = [#tpu.dimension_semantics<arbitrary>], iteration_bounds = array<i64: 25>, scalar_prefetch = 0 : i64, scratch_operands = 0 : i64, tpu.core_type = #tpu.core_type<tc>, window_params = [{transform_indices = @transform_0, window_bounds = array<i64: 4096, 128>}, {transform_indices = @transform_1, window_bounds = array<i64: 1, 32, 128>}, {pipeline_mode = #tpu.pipeline_mode<synchronous>, transform_indices = @transform_2, window_bounds = array<i64: 128, 512>}, {pipeline_mode = #tpu.pipeline_mode<synchronous>, transform_indices = @transform_3, window_bounds = array<i64: 4, 1, 128>}, {pipeline_mode = #tpu.pipeline_mode<synchronous>, transform_indices = @transform_4, window_bounds = array<i64: 4, 128, 128>}, {pipeline_mode = #tpu.pipeline_mode<synchronous>, transform_indices = @transform_5, window_bounds = array<i64: 4, 1, 128>}, {pipeline_mode = #tpu.pipeline_mode<synchronous>, transform_indices = @transform_6, window_bounds = array<i64: 4, 128, 384>}, {pipeline_mode = #tpu.pipeline_mode<synchronous>, transform_indices = @transform_7, window_bounds = array<i64: 4, 1, 384>}, {pipeline_mode = #tpu.pipeline_mode<synchronous>, transform_indices = @transform_8, window_bounds = array<i64: 4, 1, 128>}, {pipeline_mode = #tpu.pipeline_mode<synchronous>, transform_indices = @transform_9, window_bounds = array<i64: 128, 128>}, {pipeline_mode = #tpu.pipeline_mode<synchronous>, transform_indices = @transform_10, window_bounds = array<i64: 1, 128>}, {pipeline_mode = #tpu.pipeline_mode<synchronous>, transform_indices = @transform_11, window_bounds = array<i64: 128, 128>}, {pipeline_mode = #tpu.pipeline_mode<synchronous>, transform_indices = @transform_12, window_bounds = array<i64: 1, 128>}, {pipeline_mode = #tpu.pipeline_mode<synchronous>, transform_indices = @transform_13, window_bounds = array<i64: 128, 1>}, {pipeline_mode = #tpu.pipeline_mode<synchronous>, transform_indices = @transform_14, window_bounds = array<i64: 1, 1>}, {transform_indices = @transform_15, window_bounds = array<i64: 4096, 128>}, {transform_indices = @transform_16, window_bounds = array<i64: 4096, 128>}, {transform_indices = @transform_17, window_bounds = array<i64: 1, 4096>}, {transform_indices = @transform_18, window_bounds = array<i64: 4096, 128>}]} {
    %get3A = arith.constant 0 : index
    %get3A_0 = arith.constant 0 : index
    %get3A_1 = vector.load %arg1[%get3A, %get3A_0] : memref<4096x128xf32, #tpu.memory_space<vmem>>, vector<4096x128xf32>
    %iota3A = tpu.iota {dimensions = array<i32: 0>} : vector<128x128xi32>
    %iota3A_2 = tpu.iota {dimensions = array<i32: 1>} : vector<128x128xi32>
    %eq3A = arith.cmpi eq, %iota3A, %iota3A_2 : vector<128x128xi32>
    %convert_element_type3A = arith.extui %eq3A : vector<128x128xi1> to vector<128x128xi32>
    %convert_element_type3A_3 = arith.sitofp %convert_element_type3A : vector<128x128xi32> to vector<128x128xf32>
    %get3A_4 = arith.constant 0 : index
    %get3A_5 = arith.constant 0 : index
    %get3A_6 = arith.constant 0 : index
    %get3A_7 = vector.load %arg2[%get3A_4, %get3A_5, %get3A_6] : memref<1x32x128xf32, #tpu.memory_space<vmem>>, vector<1x32x128xf32>
    %get3A_8 = vector.shape_cast %get3A_7 : vector<1x32x128xf32> to vector<32x128xf32>
    %dot_general3A = arith.constant dense<0.000000e+00> : vector<128x32xf32>
    %dot_general3A_9 = tpu.matmul %convert_element_type3A_3, %get3A_8, %dot_general3A {dimension_numbers = #tpu.dot_dimension_numbers<[1], [1], [0], [0], [0, 0, 1, 0], [], []>, transpose_lhs_hint = false} : vector<128x128xf32>, vector<32x128xf32>, vector<128x32xf32> -> vector<128x32xf32>
    %slice3A = vector.extract_strided_slice %dot_general3A_9 {offsets = [0, 0], sizes = [128, 1], strides = [1, 1]} : vector<128x32xf32> to vector<128x1xf32>
    %slice3A_10 = vector.extract_strided_slice %dot_general3A_9 {offsets = [0, 1], sizes = [128, 1], strides = [1, 1]} : vector<128x32xf32> to vector<128x1xf32>
    %slice3A_11 = vector.extract_strided_slice %dot_general3A_9 {offsets = [0, 2], sizes = [128, 1], strides = [1, 1]} : vector<128x32xf32> to vector<128x1xf32>
    %slice3A_12 = vector.extract_strided_slice %dot_general3A_9 {offsets = [0, 3], sizes = [128, 1], strides = [1, 1]} : vector<128x32xf32> to vector<128x1xf32>
    %slice3A_13 = vector.extract_strided_slice %dot_general3A_9 {offsets = [0, 4], sizes = [128, 1], strides = [1, 1]} : vector<128x32xf32> to vector<128x1xf32>
    %slice3A_14 = vector.extract_strided_slice %dot_general3A_9 {offsets = [0, 5], sizes = [128, 1], strides = [1, 1]} : vector<128x32xf32> to vector<128x1xf32>
    %slice3A_15 = vector.extract_strided_slice %dot_general3A_9 {offsets = [0, 6], sizes = [128, 1], strides = [1, 1]} : vector<128x32xf32> to vector<128x1xf32>
    %slice3A_16 = vector.extract_strided_slice %dot_general3A_9 {offsets = [0, 7], sizes = [128, 1], strides = [1, 1]} : vector<128x32xf32> to vector<128x1xf32>
    %slice3A_17 = vector.extract_strided_slice %dot_general3A_9 {offsets = [0, 8], sizes = [128, 1], strides = [1, 1]} : vector<128x32xf32> to vector<128x1xf32>
    %slice3A_18 = vector.extract_strided_slice %dot_general3A_9 {offsets = [0, 9], sizes = [128, 1], strides = [1, 1]} : vector<128x32xf32> to vector<128x1xf32>
    %slice3A_19 = vector.extract_strided_slice %dot_general3A_9 {offsets = [0, 10], sizes = [128, 1], strides = [1, 1]} : vector<128x32xf32> to vector<128x1xf32>
    %slice3A_20 = vector.extract_strided_slice %dot_general3A_9 {offsets = [0, 11], sizes = [128, 1], strides = [1, 1]} : vector<128x32xf32> to vector<128x1xf32>
    %slice3A_21 = vector.extract_strided_slice %dot_general3A_9 {offsets = [0, 12], sizes = [128, 1], strides = [1, 1]} : vector<128x32xf32> to vector<128x1xf32>
    %slice3A_22 = vector.extract_strided_slice %dot_general3A_9 {offsets = [0, 13], sizes = [128, 1], strides = [1, 1]} : vector<128x32xf32> to vector<128x1xf32>
    %slice3A_23 = vector.extract_strided_slice %dot_general3A_9 {offsets = [0, 14], sizes = [128, 1], strides = [1, 1]} : vector<128x32xf32> to vector<128x1xf32>
    %slice3A_24 = vector.extract_strided_slice %dot_general3A_9 {offsets = [0, 15], sizes = [128, 1], strides = [1, 1]} : vector<128x32xf32> to vector<128x1xf32>
    %slice3A_25 = vector.extract_strided_slice %dot_general3A_9 {offsets = [0, 16], sizes = [128, 1], strides = [1, 1]} : vector<128x32xf32> to vector<128x1xf32>
    %slice3A_26 = vector.extract_strided_slice %dot_general3A_9 {offsets = [0, 17], sizes = [128, 1], strides = [1, 1]} : vector<128x32xf32> to vector<128x1xf32>
    %slice3A_27 = vector.extract_strided_slice %dot_general3A_9 {offsets = [0, 18], sizes = [128, 1], strides = [1, 1]} : vector<128x32xf32> to vector<128x1xf32>
    %slice3A_28 = vector.extract_strided_slice %dot_general3A_9 {offsets = [0, 19], sizes = [128, 1], strides = [1, 1]} : vector<128x32xf32> to vector<128x1xf32>
    %slice3A_29 = vector.extract_strided_slice %dot_general3A_9 {offsets = [0, 20], sizes = [128, 1], strides = [1, 1]} : vector<128x32xf32> to vector<128x1xf32>
    %slice3A_30 = vector.extract_strided_slice %dot_general3A_9 {offsets = [0, 21], sizes = [128, 1], strides = [1, 1]} : vector<128x32xf32> to vector<128x1xf32>
    %slice3A_31 = vector.extract_strided_slice %dot_general3A_9 {offsets = [0, 22], sizes = [128, 1], strides = [1, 1]} : vector<128x32xf32> to vector<128x1xf32>
    %slice3A_32 = vector.extract_strided_slice %dot_general3A_9 {offsets = [0, 23], sizes = [128, 1], strides = [1, 1]} : vector<128x32xf32> to vector<128x1xf32>
    %slice3A_33 = vector.extract_strided_slice %dot_general3A_9 {offsets = [0, 24], sizes = [128, 1], strides = [1, 1]} : vector<128x32xf32> to vector<128x1xf32>
    %slice3A_34 = vector.extract_strided_slice %dot_general3A_9 {offsets = [0, 25], sizes = [128, 1], strides = [1, 1]} : vector<128x32xf32> to vector<128x1xf32>
    %slice3A_35 = vector.extract_strided_slice %dot_general3A_9 {offsets = [0, 26], sizes = [128, 1], strides = [1, 1]} : vector<128x32xf32> to vector<128x1xf32>
    %slice3A_36 = vector.extract_strided_slice %dot_general3A_9 {offsets = [0, 27], sizes = [128, 1], strides = [1, 1]} : vector<128x32xf32> to vector<128x1xf32>
    %slice3A_37 = vector.extract_strided_slice %dot_general3A_9 {offsets = [0, 28], sizes = [128, 1], strides = [1, 1]} : vector<128x32xf32> to vector<128x1xf32>
    %slice3A_38 = vector.extract_strided_slice %dot_general3A_9 {offsets = [0, 29], sizes = [128, 1], strides = [1, 1]} : vector<128x32xf32> to vector<128x1xf32>
    %slice3A_39 = vector.extract_strided_slice %dot_general3A_9 {offsets = [0, 30], sizes = [128, 1], strides = [1, 1]} : vector<128x32xf32> to vector<128x1xf32>
    %slice3A_40 = vector.extract_strided_slice %dot_general3A_9 {offsets = [0, 31], sizes = [128, 1], strides = [1, 1]} : vector<128x32xf32> to vector<128x1xf32>
    %concatenate3A = tpu.concatenate %slice3A, %slice3A_10, %slice3A_11, %slice3A_12, %slice3A_13, %slice3A_14, %slice3A_15, %slice3A_16, %slice3A_17, %slice3A_18, %slice3A_19, %slice3A_20, %slice3A_21, %slice3A_22, %slice3A_23, %slice3A_24, %slice3A_25, %slice3A_26, %slice3A_27, %slice3A_28, %slice3A_29, %slice3A_30, %slice3A_31, %slice3A_32, %slice3A_33, %slice3A_34, %slice3A_35, %slice3A_36, %slice3A_37, %slice3A_38, %slice3A_39, %slice3A_40 in 0 : vector<128x1xf32>, vector<128x1xf32>, vector<128x1xf32>, vector<128x1xf32>, vector<128x1xf32>, vector<128x1xf32>, vector<128x1xf32>, vector<128x1xf32>, vector<128x1xf32>, vector<128x1xf32>, vector<128x1xf32>, vector<128x1xf32>, vector<128x1xf32>, vector<128x1xf32>, vector<128x1xf32>, vector<128x1xf32>, vector<128x1xf32>, vector<128x1xf32>, vector<128x1xf32>, vector<128x1xf32>, vector<128x1xf32>, vector<128x1xf32>, vector<128x1xf32>, vector<128x1xf32>, vector<128x1xf32>, vector<128x1xf32>, vector<128x1xf32>, vector<128x1xf32>, vector<128x1xf32>, vector<128x1xf32>, vector<128x1xf32>, vector<128x1xf32> -> vector<4096x1xf32>
    %eq3A_41 = arith.constant 1.000000e+00 : f32
    %eq3A_42 = vector.broadcast %eq3A_41 : f32 to vector<4096x1xf32>
    %eq3A_43 = arith.cmpf oeq, %concatenate3A, %eq3A_42 : vector<4096x1xf32>
    %eq3A_44 = arith.constant 2.000000e+00 : f32
    %eq3A_45 = vector.broadcast %eq3A_44 : f32 to vector<4096x1xf32>
    %eq3A_46 = arith.cmpf oeq, %concatenate3A, %eq3A_45 : vector<4096x1xf32>
    %get3A_47 = arith.constant 0 : index
    %get3A_48 = arith.constant 0 : index
    %get3A_49 = vector.load %arg3[%get3A_47, %get3A_48] : memref<128x512xf32, #tpu.memory_space<vmem>>, vector<128x512xf32>
    %dot_general3A_50 = arith.constant dense<0.000000e+00> : vector<4096x512xf32>
    %dot_general3A_51 = tpu.matmul %get3A_1, %get3A_49, %dot_general3A_50 {dimension_numbers = #tpu.dot_dimension_numbers<[1], [0], [0], [1], [0, 0, 1, 1], [], []>, transpose_lhs_hint = false} : vector<4096x128xf32>, vector<128x512xf32>, vector<4096x512xf32> -> vector<4096x512xf32>
    %slice3A_52 = vector.extract_strided_slice %dot_general3A_51 {offsets = [0, 0], sizes = [4096, 128], strides = [1, 1]} : vector<4096x512xf32> to vector<4096x128xf32>
    %get3A_53 = arith.constant 0 : index
    %get3A_54 = arith.constant 0 : index
    %get3A_55 = arith.constant 0 : index
    %get3A_56 = vector.load %arg4[%get3A_53, %get3A_54, %get3A_55] : memref<4x1x128xf32, #tpu.memory_space<vmem>>, vector<1x1x128xf32>
    %get3A_57 = vector.shape_cast %get3A_56 : vector<1x1x128xf32> to vector<1x128xf32>
    %add3A = vector.broadcast %get3A_57 : vector<1x128xf32> to vector<4096x128xf32>
    %add3A_58 = arith.addf %slice3A_52, %add3A : vector<4096x128xf32>
    %max3A = arith.constant 0.000000e+00 : f32
    %max3A_59 = vector.broadcast %max3A : f32 to vector<4096x128xf32>
    %max3A_60 = arith.maximumf %add3A_58, %max3A_59 : vector<4096x128xf32>
    %get3A_61 = arith.constant 0 : index
    %get3A_62 = arith.constant 0 : index
    %get3A_63 = arith.constant 0 : index
    %get3A_64 = vector.load %arg5[%get3A_61, %get3A_62, %get3A_63] : memref<4x128x128xf32, #tpu.memory_space<vmem>>, vector<1x128x128xf32>
    %get3A_65 = vector.shape_cast %get3A_64 : vector<1x128x128xf32> to vector<128x128xf32>
    %dot_general3A_66 = arith.constant dense<0.000000e+00> : vector<4096x128xf32>
    %dot_general3A_67 = tpu.matmul %max3A_60, %get3A_65, %dot_general3A_66 {dimension_numbers = #tpu.dot_dimension_numbers<[1], [0], [0], [1], [0, 0, 1, 1], [], []>, transpose_lhs_hint = false} : vector<4096x128xf32>, vector<128x128xf32>, vector<4096x128xf32> -> vector<4096x128xf32>
    %get3A_68 = arith.constant 0 : index
    %get3A_69 = arith.constant 0 : index
    %get3A_70 = arith.constant 0 : index
    %get3A_71 = vector.load %arg6[%get3A_68, %get3A_69, %get3A_70] : memref<4x1x128xf32, #tpu.memory_space<vmem>>, vector<1x1x128xf32>
    %get3A_72 = vector.shape_cast %get3A_71 : vector<1x1x128xf32> to vector<1x128xf32>
    %add3A_73 = vector.broadcast %get3A_72 : vector<1x128xf32> to vector<4096x128xf32>
    %add3A_74 = arith.addf %dot_general3A_67, %add3A_73 : vector<4096x128xf32>
    %max3A_75 = arith.constant 0.000000e+00 : f32
    %max3A_76 = vector.broadcast %max3A_75 : f32 to vector<4096x128xf32>
    %max3A_77 = arith.maximumf %add3A_74, %max3A_76 : vector<4096x128xf32>
    %get3A_78 = arith.constant 0 : index
    %get3A_79 = arith.constant 0 : index
    %get3A_80 = arith.constant 0 : index
    %get3A_81 = vector.load %arg7[%get3A_78, %get3A_79, %get3A_80] : memref<4x128x384xf32, #tpu.memory_space<vmem>>, vector<1x128x384xf32>
    %get3A_82 = vector.shape_cast %get3A_81 : vector<1x128x384xf32> to vector<128x384xf32>
    %dot_general3A_83 = arith.constant dense<0.000000e+00> : vector<4096x384xf32>
    %dot_general3A_84 = tpu.matmul %max3A_77, %get3A_82, %dot_general3A_83 {dimension_numbers = #tpu.dot_dimension_numbers<[1], [0], [0], [1], [0, 0, 1, 1], [], []>, transpose_lhs_hint = false} : vector<4096x128xf32>, vector<128x384xf32>, vector<4096x384xf32> -> vector<4096x384xf32>
    %get3A_85 = arith.constant 0 : index
    %get3A_86 = arith.constant 0 : index
    %get3A_87 = arith.constant 0 : index
    %get3A_88 = vector.load %arg8[%get3A_85, %get3A_86, %get3A_87] : memref<4x1x384xf32, #tpu.memory_space<vmem>>, vector<1x1x384xf32>
    %get3A_89 = vector.shape_cast %get3A_88 : vector<1x1x384xf32> to vector<1x384xf32>
    %add3A_90 = vector.broadcast %get3A_89 : vector<1x384xf32> to vector<4096x384xf32>
    %add3A_91 = arith.addf %dot_general3A_84, %add3A_90 : vector<4096x384xf32>
    %slice3A_92 = vector.extract_strided_slice %add3A_91 {offsets = [0, 0], sizes = [4096, 128], strides = [1, 1]} : vector<4096x384xf32> to vector<4096x128xf32>
    %mul3A = arith.constant 5.000000e-01 : f32
    %mul3A_93 = vector.broadcast %mul3A : f32 to vector<4096x128xf32>
    %mul3A_94 = arith.mulf %mul3A_93, %slice3A_92 : vector<4096x128xf32>
    %tanh3A = math.tanh %mul3A_94 : vector<4096x128xf32>
    %add3A_95 = arith.constant 1.000000e+00 : f32
    %add3A_96 = vector.broadcast %add3A_95 : f32 to vector<4096x128xf32>
    %add3A_97 = arith.addf %tanh3A, %add3A_96 : vector<4096x128xf32>
    %mul3A_98 = arith.constant 5.000000e-01 : f32
    %mul3A_99 = vector.broadcast %mul3A_98 : f32 to vector<4096x128xf32>
    %mul3A_100 = arith.mulf %mul3A_99, %add3A_97 : vector<4096x128xf32>
    %slice3A_101 = vector.extract_strided_slice %add3A_91 {offsets = [0, 128], sizes = [4096, 128], strides = [1, 1]} : vector<4096x384xf32> to vector<4096x128xf32>
    %mul3A_102 = arith.constant 5.000000e-01 : f32
    %mul3A_103 = vector.broadcast %mul3A_102 : f32 to vector<4096x128xf32>
    %mul3A_104 = arith.mulf %mul3A_103, %slice3A_101 : vector<4096x128xf32>
    %tanh3A_105 = math.tanh %mul3A_104 : vector<4096x128xf32>
    %add3A_106 = arith.constant 1.000000e+00 : f32
    %add3A_107 = vector.broadcast %add3A_106 : f32 to vector<4096x128xf32>
    %add3A_108 = arith.addf %tanh3A_105, %add3A_107 : vector<4096x128xf32>
    %mul3A_109 = arith.constant 5.000000e-01 : f32
    %mul3A_110 = vector.broadcast %mul3A_109 : f32 to vector<4096x128xf32>
    %mul3A_111 = arith.mulf %mul3A_110, %add3A_108 : vector<4096x128xf32>
    %slice3A_112 = vector.extract_strided_slice %add3A_91 {offsets = [0, 256], sizes = [4096, 128], strides = [1, 1]} : vector<4096x384xf32> to vector<4096x128xf32>
    %get3A_113 = arith.constant 0 : index
    %get3A_114 = arith.constant 0 : index
    %get3A_115 = arith.constant 0 : index
    %get3A_116 = vector.load %arg9[%get3A_113, %get3A_114, %get3A_115] : memref<4x1x128xf32, #tpu.memory_space<vmem>>, vector<1x1x128xf32>
    %get3A_117 = vector.shape_cast %get3A_116 : vector<1x1x128xf32> to vector<1x128xf32>
    %mul3A_118 = vector.broadcast %get3A_117 : vector<1x128xf32> to vector<4096x128xf32>
    %mul3A_119 = arith.mulf %mul3A_100, %mul3A_118 : vector<4096x128xf32>
    %add3A_120 = arith.addf %slice3A_112, %mul3A_119 : vector<4096x128xf32>
    %tanh3A_121 = math.tanh %add3A_120 : vector<4096x128xf32>
    %sub3A = arith.constant 1.000000e+00 : f32
    %sub3A_122 = vector.broadcast %sub3A : f32 to vector<4096x128xf32>
    %sub3A_123 = arith.subf %sub3A_122, %mul3A_111 : vector<4096x128xf32>
    %mul3A_124 = arith.mulf %sub3A_123, %tanh3A_121 : vector<4096x128xf32>
    %add3A_125 = arith.addf %mul3A_124, %mul3A_111 : vector<4096x128xf32>
    %slice3A_126 = vector.extract_strided_slice %dot_general3A_51 {offsets = [0, 128], sizes = [4096, 128], strides = [1, 1]} : vector<4096x512xf32> to vector<4096x128xf32>
    %get3A_127 = arith.constant 1 : index
    %get3A_128 = arith.constant 0 : index
    %get3A_129 = arith.constant 0 : index
    %get3A_130 = vector.load %arg4[%get3A_127, %get3A_128, %get3A_129] : memref<4x1x128xf32, #tpu.memory_space<vmem>>, vector<1x1x128xf32>
    %get3A_131 = vector.shape_cast %get3A_130 : vector<1x1x128xf32> to vector<1x128xf32>
    %add3A_132 = vector.broadcast %get3A_131 : vector<1x128xf32> to vector<4096x128xf32>
    %add3A_133 = arith.addf %slice3A_126, %add3A_132 : vector<4096x128xf32>
    %max3A_134 = arith.constant 0.000000e+00 : f32
    %max3A_135 = vector.broadcast %max3A_134 : f32 to vector<4096x128xf32>
    %max3A_136 = arith.maximumf %add3A_133, %max3A_135 : vector<4096x128xf32>
    %get3A_137 = arith.constant 1 : index
    %get3A_138 = arith.constant 0 : index
    %get3A_139 = arith.constant 0 : index
    %get3A_140 = vector.load %arg5[%get3A_137, %get3A_138, %get3A_139] : memref<4x128x128xf32, #tpu.memory_space<vmem>>, vector<1x128x128xf32>
    %get3A_141 = vector.shape_cast %get3A_140 : vector<1x128x128xf32> to vector<128x128xf32>
    %dot_general3A_142 = arith.constant dense<0.000000e+00> : vector<4096x128xf32>
    %dot_general3A_143 = tpu.matmul %max3A_136, %get3A_141, %dot_general3A_142 {dimension_numbers = #tpu.dot_dimension_numbers<[1], [0], [0], [1], [0, 0, 1, 1], [], []>, transpose_lhs_hint = false} : vector<4096x128xf32>, vector<128x128xf32>, vector<4096x128xf32> -> vector<4096x128xf32>
    %get3A_144 = arith.constant 1 : index
    %get3A_145 = arith.constant 0 : index
    %get3A_146 = arith.constant 0 : index
    %get3A_147 = vector.load %arg6[%get3A_144, %get3A_145, %get3A_146] : memref<4x1x128xf32, #tpu.memory_space<vmem>>, vector<1x1x128xf32>
    %get3A_148 = vector.shape_cast %get3A_147 : vector<1x1x128xf32> to vector<1x128xf32>
    %add3A_149 = vector.broadcast %get3A_148 : vector<1x128xf32> to vector<4096x128xf32>
    %add3A_150 = arith.addf %dot_general3A_143, %add3A_149 : vector<4096x128xf32>
    %max3A_151 = arith.constant 0.000000e+00 : f32
    %max3A_152 = vector.broadcast %max3A_151 : f32 to vector<4096x128xf32>
    %max3A_153 = arith.maximumf %add3A_150, %max3A_152 : vector<4096x128xf32>
    %get3A_154 = arith.constant 1 : index
    %get3A_155 = arith.constant 0 : index
    %get3A_156 = arith.constant 0 : index
    %get3A_157 = vector.load %arg7[%get3A_154, %get3A_155, %get3A_156] : memref<4x128x384xf32, #tpu.memory_space<vmem>>, vector<1x128x384xf32>
    %get3A_158 = vector.shape_cast %get3A_157 : vector<1x128x384xf32> to vector<128x384xf32>
    %dot_general3A_159 = arith.constant dense<0.000000e+00> : vector<4096x384xf32>
    %dot_general3A_160 = tpu.matmul %max3A_153, %get3A_158, %dot_general3A_159 {dimension_numbers = #tpu.dot_dimension_numbers<[1], [0], [0], [1], [0, 0, 1, 1], [], []>, transpose_lhs_hint = false} : vector<4096x128xf32>, vector<128x384xf32>, vector<4096x384xf32> -> vector<4096x384xf32>
    %get3A_161 = arith.constant 1 : index
    %get3A_162 = arith.constant 0 : index
    %get3A_163 = arith.constant 0 : index
    %get3A_164 = vector.load %arg8[%get3A_161, %get3A_162, %get3A_163] : memref<4x1x384xf32, #tpu.memory_space<vmem>>, vector<1x1x384xf32>
    %get3A_165 = vector.shape_cast %get3A_164 : vector<1x1x384xf32> to vector<1x384xf32>
    %add3A_166 = vector.broadcast %get3A_165 : vector<1x384xf32> to vector<4096x384xf32>
    %add3A_167 = arith.addf %dot_general3A_160, %add3A_166 : vector<4096x384xf32>
    %slice3A_168 = vector.extract_strided_slice %add3A_167 {offsets = [0, 0], sizes = [4096, 128], strides = [1, 1]} : vector<4096x384xf32> to vector<4096x128xf32>
    %mul3A_169 = arith.constant 5.000000e-01 : f32
    %mul3A_170 = vector.broadcast %mul3A_169 : f32 to vector<4096x128xf32>
    %mul3A_171 = arith.mulf %mul3A_170, %slice3A_168 : vector<4096x128xf32>
    %tanh3A_172 = math.tanh %mul3A_171 : vector<4096x128xf32>
    %add3A_173 = arith.constant 1.000000e+00 : f32
    %add3A_174 = vector.broadcast %add3A_173 : f32 to vector<4096x128xf32>
    %add3A_175 = arith.addf %tanh3A_172, %add3A_174 : vector<4096x128xf32>
    %mul3A_176 = arith.constant 5.000000e-01 : f32
    %mul3A_177 = vector.broadcast %mul3A_176 : f32 to vector<4096x128xf32>
    %mul3A_178 = arith.mulf %mul3A_177, %add3A_175 : vector<4096x128xf32>
    %slice3A_179 = vector.extract_strided_slice %add3A_167 {offsets = [0, 128], sizes = [4096, 128], strides = [1, 1]} : vector<4096x384xf32> to vector<4096x128xf32>
    %mul3A_180 = arith.constant 5.000000e-01 : f32
    %mul3A_181 = vector.broadcast %mul3A_180 : f32 to vector<4096x128xf32>
    %mul3A_182 = arith.mulf %mul3A_181, %slice3A_179 : vector<4096x128xf32>
    %tanh3A_183 = math.tanh %mul3A_182 : vector<4096x128xf32>
    %add3A_184 = arith.constant 1.000000e+00 : f32
    %add3A_185 = vector.broadcast %add3A_184 : f32 to vector<4096x128xf32>
    %add3A_186 = arith.addf %tanh3A_183, %add3A_185 : vector<4096x128xf32>
    %mul3A_187 = arith.constant 5.000000e-01 : f32
    %mul3A_188 = vector.broadcast %mul3A_187 : f32 to vector<4096x128xf32>
    %mul3A_189 = arith.mulf %mul3A_188, %add3A_186 : vector<4096x128xf32>
    %slice3A_190 = vector.extract_strided_slice %add3A_167 {offsets = [0, 256], sizes = [4096, 128], strides = [1, 1]} : vector<4096x384xf32> to vector<4096x128xf32>
    %get3A_191 = arith.constant 1 : index
    %get3A_192 = arith.constant 0 : index
    %get3A_193 = arith.constant 0 : index
    %get3A_194 = vector.load %arg9[%get3A_191, %get3A_192, %get3A_193] : memref<4x1x128xf32, #tpu.memory_space<vmem>>, vector<1x1x128xf32>
    %get3A_195 = vector.shape_cast %get3A_194 : vector<1x1x128xf32> to vector<1x128xf32>
    %mul3A_196 = vector.broadcast %get3A_195 : vector<1x128xf32> to vector<4096x128xf32>
    %mul3A_197 = arith.mulf %mul3A_178, %mul3A_196 : vector<4096x128xf32>
    %add3A_198 = arith.addf %slice3A_190, %mul3A_197 : vector<4096x128xf32>
    %tanh3A_199 = math.tanh %add3A_198 : vector<4096x128xf32>
    %sub3A_200 = arith.constant 1.000000e+00 : f32
    %sub3A_201 = vector.broadcast %sub3A_200 : f32 to vector<4096x128xf32>
    %sub3A_202 = arith.subf %sub3A_201, %mul3A_189 : vector<4096x128xf32>
    %mul3A_203 = arith.mulf %sub3A_202, %tanh3A_199 : vector<4096x128xf32>
    %add3A_204 = arith.addf %mul3A_203, %mul3A_189 : vector<4096x128xf32>
    %slice3A_205 = vector.extract_strided_slice %dot_general3A_51 {offsets = [0, 256], sizes = [4096, 128], strides = [1, 1]} : vector<4096x512xf32> to vector<4096x128xf32>
    %get3A_206 = arith.constant 2 : index
    %get3A_207 = arith.constant 0 : index
    %get3A_208 = arith.constant 0 : index
    %get3A_209 = vector.load %arg4[%get3A_206, %get3A_207, %get3A_208] : memref<4x1x128xf32, #tpu.memory_space<vmem>>, vector<1x1x128xf32>
    %get3A_210 = vector.shape_cast %get3A_209 : vector<1x1x128xf32> to vector<1x128xf32>
    %add3A_211 = vector.broadcast %get3A_210 : vector<1x128xf32> to vector<4096x128xf32>
    %add3A_212 = arith.addf %slice3A_205, %add3A_211 : vector<4096x128xf32>
    %max3A_213 = arith.constant 0.000000e+00 : f32
    %max3A_214 = vector.broadcast %max3A_213 : f32 to vector<4096x128xf32>
    %max3A_215 = arith.maximumf %add3A_212, %max3A_214 : vector<4096x128xf32>
    %get3A_216 = arith.constant 2 : index
    %get3A_217 = arith.constant 0 : index
    %get3A_218 = arith.constant 0 : index
    %get3A_219 = vector.load %arg5[%get3A_216, %get3A_217, %get3A_218] : memref<4x128x128xf32, #tpu.memory_space<vmem>>, vector<1x128x128xf32>
    %get3A_220 = vector.shape_cast %get3A_219 : vector<1x128x128xf32> to vector<128x128xf32>
    %dot_general3A_221 = arith.constant dense<0.000000e+00> : vector<4096x128xf32>
    %dot_general3A_222 = tpu.matmul %max3A_215, %get3A_220, %dot_general3A_221 {dimension_numbers = #tpu.dot_dimension_numbers<[1], [0], [0], [1], [0, 0, 1, 1], [], []>, transpose_lhs_hint = false} : vector<4096x128xf32>, vector<128x128xf32>, vector<4096x128xf32> -> vector<4096x128xf32>
    %get3A_223 = arith.constant 2 : index
    %get3A_224 = arith.constant 0 : index
    %get3A_225 = arith.constant 0 : index
    %get3A_226 = vector.load %arg6[%get3A_223, %get3A_224, %get3A_225] : memref<4x1x128xf32, #tpu.memory_space<vmem>>, vector<1x1x128xf32>
    %get3A_227 = vector.shape_cast %get3A_226 : vector<1x1x128xf32> to vector<1x128xf32>
    %add3A_228 = vector.broadcast %get3A_227 : vector<1x128xf32> to vector<4096x128xf32>
    %add3A_229 = arith.addf %dot_general3A_222, %add3A_228 : vector<4096x128xf32>
    %max3A_230 = arith.constant 0.000000e+00 : f32
    %max3A_231 = vector.broadcast %max3A_230 : f32 to vector<4096x128xf32>
    %max3A_232 = arith.maximumf %add3A_229, %max3A_231 : vector<4096x128xf32>
    %get3A_233 = arith.constant 2 : index
    %get3A_234 = arith.constant 0 : index
    %get3A_235 = arith.constant 0 : index
    %get3A_236 = vector.load %arg7[%get3A_233, %get3A_234, %get3A_235] : memref<4x128x384xf32, #tpu.memory_space<vmem>>, vector<1x128x384xf32>
    %get3A_237 = vector.shape_cast %get3A_236 : vector<1x128x384xf32> to vector<128x384xf32>
    %dot_general3A_238 = arith.constant dense<0.000000e+00> : vector<4096x384xf32>
    %dot_general3A_239 = tpu.matmul %max3A_232, %get3A_237, %dot_general3A_238 {dimension_numbers = #tpu.dot_dimension_numbers<[1], [0], [0], [1], [0, 0, 1, 1], [], []>, transpose_lhs_hint = false} : vector<4096x128xf32>, vector<128x384xf32>, vector<4096x384xf32> -> vector<4096x384xf32>
    %get3A_240 = arith.constant 2 : index
    %get3A_241 = arith.constant 0 : index
    %get3A_242 = arith.constant 0 : index
    %get3A_243 = vector.load %arg8[%get3A_240, %get3A_241, %get3A_242] : memref<4x1x384xf32, #tpu.memory_space<vmem>>, vector<1x1x384xf32>
    %get3A_244 = vector.shape_cast %get3A_243 : vector<1x1x384xf32> to vector<1x384xf32>
    %add3A_245 = vector.broadcast %get3A_244 : vector<1x384xf32> to vector<4096x384xf32>
    %add3A_246 = arith.addf %dot_general3A_239, %add3A_245 : vector<4096x384xf32>
    %slice3A_247 = vector.extract_strided_slice %add3A_246 {offsets = [0, 0], sizes = [4096, 128], strides = [1, 1]} : vector<4096x384xf32> to vector<4096x128xf32>
    %mul3A_248 = arith.constant 5.000000e-01 : f32
    %mul3A_249 = vector.broadcast %mul3A_248 : f32 to vector<4096x128xf32>
    %mul3A_250 = arith.mulf %mul3A_249, %slice3A_247 : vector<4096x128xf32>
    %tanh3A_251 = math.tanh %mul3A_250 : vector<4096x128xf32>
    %add3A_252 = arith.constant 1.000000e+00 : f32
    %add3A_253 = vector.broadcast %add3A_252 : f32 to vector<4096x128xf32>
    %add3A_254 = arith.addf %tanh3A_251, %add3A_253 : vector<4096x128xf32>
    %mul3A_255 = arith.constant 5.000000e-01 : f32
    %mul3A_256 = vector.broadcast %mul3A_255 : f32 to vector<4096x128xf32>
    %mul3A_257 = arith.mulf %mul3A_256, %add3A_254 : vector<4096x128xf32>
    %slice3A_258 = vector.extract_strided_slice %add3A_246 {offsets = [0, 128], sizes = [4096, 128], strides = [1, 1]} : vector<4096x384xf32> to vector<4096x128xf32>
    %mul3A_259 = arith.constant 5.000000e-01 : f32
    %mul3A_260 = vector.broadcast %mul3A_259 : f32 to vector<4096x128xf32>
    %mul3A_261 = arith.mulf %mul3A_260, %slice3A_258 : vector<4096x128xf32>
    %tanh3A_262 = math.tanh %mul3A_261 : vector<4096x128xf32>
    %add3A_263 = arith.constant 1.000000e+00 : f32
    %add3A_264 = vector.broadcast %add3A_263 : f32 to vector<4096x128xf32>
    %add3A_265 = arith.addf %tanh3A_262, %add3A_264 : vector<4096x128xf32>
    %mul3A_266 = arith.constant 5.000000e-01 : f32
    %mul3A_267 = vector.broadcast %mul3A_266 : f32 to vector<4096x128xf32>
    %mul3A_268 = arith.mulf %mul3A_267, %add3A_265 : vector<4096x128xf32>
    %slice3A_269 = vector.extract_strided_slice %add3A_246 {offsets = [0, 256], sizes = [4096, 128], strides = [1, 1]} : vector<4096x384xf32> to vector<4096x128xf32>
    %get3A_270 = arith.constant 2 : index
    %get3A_271 = arith.constant 0 : index
    %get3A_272 = arith.constant 0 : index
    %get3A_273 = vector.load %arg9[%get3A_270, %get3A_271, %get3A_272] : memref<4x1x128xf32, #tpu.memory_space<vmem>>, vector<1x1x128xf32>
    %get3A_274 = vector.shape_cast %get3A_273 : vector<1x1x128xf32> to vector<1x128xf32>
    %mul3A_275 = vector.broadcast %get3A_274 : vector<1x128xf32> to vector<4096x128xf32>
    %mul3A_276 = arith.mulf %mul3A_257, %mul3A_275 : vector<4096x128xf32>
    %add3A_277 = arith.addf %slice3A_269, %mul3A_276 : vector<4096x128xf32>
    %tanh3A_278 = math.tanh %add3A_277 : vector<4096x128xf32>
    %sub3A_279 = arith.constant 1.000000e+00 : f32
    %sub3A_280 = vector.broadcast %sub3A_279 : f32 to vector<4096x128xf32>
    %sub3A_281 = arith.subf %sub3A_280, %mul3A_268 : vector<4096x128xf32>
    %mul3A_282 = arith.mulf %sub3A_281, %tanh3A_278 : vector<4096x128xf32>
    %add3A_283 = arith.addf %mul3A_282, %mul3A_268 : vector<4096x128xf32>
    %slice3A_284 = vector.extract_strided_slice %dot_general3A_51 {offsets = [0, 384], sizes = [4096, 128], strides = [1, 1]} : vector<4096x512xf32> to vector<4096x128xf32>
    %get3A_285 = arith.constant 3 : index
    %get3A_286 = arith.constant 0 : index
    %get3A_287 = arith.constant 0 : index
    %get3A_288 = vector.load %arg4[%get3A_285, %get3A_286, %get3A_287] : memref<4x1x128xf32, #tpu.memory_space<vmem>>, vector<1x1x128xf32>
    %get3A_289 = vector.shape_cast %get3A_288 : vector<1x1x128xf32> to vector<1x128xf32>
    %add3A_290 = vector.broadcast %get3A_289 : vector<1x128xf32> to vector<4096x128xf32>
    %add3A_291 = arith.addf %slice3A_284, %add3A_290 : vector<4096x128xf32>
    %max3A_292 = arith.constant 0.000000e+00 : f32
    %max3A_293 = vector.broadcast %max3A_292 : f32 to vector<4096x128xf32>
    %max3A_294 = arith.maximumf %add3A_291, %max3A_293 : vector<4096x128xf32>
    %get3A_295 = arith.constant 3 : index
    %get3A_296 = arith.constant 0 : index
    %get3A_297 = arith.constant 0 : index
    %get3A_298 = vector.load %arg5[%get3A_295, %get3A_296, %get3A_297] : memref<4x128x128xf32, #tpu.memory_space<vmem>>, vector<1x128x128xf32>
    %get3A_299 = vector.shape_cast %get3A_298 : vector<1x128x128xf32> to vector<128x128xf32>
    %dot_general3A_300 = arith.constant dense<0.000000e+00> : vector<4096x128xf32>
    %dot_general3A_301 = tpu.matmul %max3A_294, %get3A_299, %dot_general3A_300 {dimension_numbers = #tpu.dot_dimension_numbers<[1], [0], [0], [1], [0, 0, 1, 1], [], []>, transpose_lhs_hint = false} : vector<4096x128xf32>, vector<128x128xf32>, vector<4096x128xf32> -> vector<4096x128xf32>
    %get3A_302 = arith.constant 3 : index
    %get3A_303 = arith.constant 0 : index
    %get3A_304 = arith.constant 0 : index
    %get3A_305 = vector.load %arg6[%get3A_302, %get3A_303, %get3A_304] : memref<4x1x128xf32, #tpu.memory_space<vmem>>, vector<1x1x128xf32>
    %get3A_306 = vector.shape_cast %get3A_305 : vector<1x1x128xf32> to vector<1x128xf32>
    %add3A_307 = vector.broadcast %get3A_306 : vector<1x128xf32> to vector<4096x128xf32>
    %add3A_308 = arith.addf %dot_general3A_301, %add3A_307 : vector<4096x128xf32>
    %max3A_309 = arith.constant 0.000000e+00 : f32
    %max3A_310 = vector.broadcast %max3A_309 : f32 to vector<4096x128xf32>
    %max3A_311 = arith.maximumf %add3A_308, %max3A_310 : vector<4096x128xf32>
    %get3A_312 = arith.constant 3 : index
    %get3A_313 = arith.constant 0 : index
    %get3A_314 = arith.constant 0 : index
    %get3A_315 = vector.load %arg7[%get3A_312, %get3A_313, %get3A_314] : memref<4x128x384xf32, #tpu.memory_space<vmem>>, vector<1x128x384xf32>
    %get3A_316 = vector.shape_cast %get3A_315 : vector<1x128x384xf32> to vector<128x384xf32>
    %dot_general3A_317 = arith.constant dense<0.000000e+00> : vector<4096x384xf32>
    %dot_general3A_318 = tpu.matmul %max3A_311, %get3A_316, %dot_general3A_317 {dimension_numbers = #tpu.dot_dimension_numbers<[1], [0], [0], [1], [0, 0, 1, 1], [], []>, transpose_lhs_hint = false} : vector<4096x128xf32>, vector<128x384xf32>, vector<4096x384xf32> -> vector<4096x384xf32>
    %get3A_319 = arith.constant 3 : index
    %get3A_320 = arith.constant 0 : index
    %get3A_321 = arith.constant 0 : index
    %get3A_322 = vector.load %arg8[%get3A_319, %get3A_320, %get3A_321] : memref<4x1x384xf32, #tpu.memory_space<vmem>>, vector<1x1x384xf32>
    %get3A_323 = vector.shape_cast %get3A_322 : vector<1x1x384xf32> to vector<1x384xf32>
    %add3A_324 = vector.broadcast %get3A_323 : vector<1x384xf32> to vector<4096x384xf32>
    %add3A_325 = arith.addf %dot_general3A_318, %add3A_324 : vector<4096x384xf32>
    %slice3A_326 = vector.extract_strided_slice %add3A_325 {offsets = [0, 0], sizes = [4096, 128], strides = [1, 1]} : vector<4096x384xf32> to vector<4096x128xf32>
    %mul3A_327 = arith.constant 5.000000e-01 : f32
    %mul3A_328 = vector.broadcast %mul3A_327 : f32 to vector<4096x128xf32>
    %mul3A_329 = arith.mulf %mul3A_328, %slice3A_326 : vector<4096x128xf32>
    %tanh3A_330 = math.tanh %mul3A_329 : vector<4096x128xf32>
    %add3A_331 = arith.constant 1.000000e+00 : f32
    %add3A_332 = vector.broadcast %add3A_331 : f32 to vector<4096x128xf32>
    %add3A_333 = arith.addf %tanh3A_330, %add3A_332 : vector<4096x128xf32>
    %mul3A_334 = arith.constant 5.000000e-01 : f32
    %mul3A_335 = vector.broadcast %mul3A_334 : f32 to vector<4096x128xf32>
    %mul3A_336 = arith.mulf %mul3A_335, %add3A_333 : vector<4096x128xf32>
    %slice3A_337 = vector.extract_strided_slice %add3A_325 {offsets = [0, 128], sizes = [4096, 128], strides = [1, 1]} : vector<4096x384xf32> to vector<4096x128xf32>
    %mul3A_338 = arith.constant 5.000000e-01 : f32
    %mul3A_339 = vector.broadcast %mul3A_338 : f32 to vector<4096x128xf32>
    %mul3A_340 = arith.mulf %mul3A_339, %slice3A_337 : vector<4096x128xf32>
    %tanh3A_341 = math.tanh %mul3A_340 : vector<4096x128xf32>
    %add3A_342 = arith.constant 1.000000e+00 : f32
    %add3A_343 = vector.broadcast %add3A_342 : f32 to vector<4096x128xf32>
    %add3A_344 = arith.addf %tanh3A_341, %add3A_343 : vector<4096x128xf32>
    %mul3A_345 = arith.constant 5.000000e-01 : f32
    %mul3A_346 = vector.broadcast %mul3A_345 : f32 to vector<4096x128xf32>
    %mul3A_347 = arith.mulf %mul3A_346, %add3A_344 : vector<4096x128xf32>
    %slice3A_348 = vector.extract_strided_slice %add3A_325 {offsets = [0, 256], sizes = [4096, 128], strides = [1, 1]} : vector<4096x384xf32> to vector<4096x128xf32>
    %get3A_349 = arith.constant 3 : index
    %get3A_350 = arith.constant 0 : index
    %get3A_351 = arith.constant 0 : index
    %get3A_352 = vector.load %arg9[%get3A_349, %get3A_350, %get3A_351] : memref<4x1x128xf32, #tpu.memory_space<vmem>>, vector<1x1x128xf32>
    %get3A_353 = vector.shape_cast %get3A_352 : vector<1x1x128xf32> to vector<1x128xf32>
    %mul3A_354 = vector.broadcast %get3A_353 : vector<1x128xf32> to vector<4096x128xf32>
    %mul3A_355 = arith.mulf %mul3A_336, %mul3A_354 : vector<4096x128xf32>
    %add3A_356 = arith.addf %slice3A_348, %mul3A_355 : vector<4096x128xf32>
    %tanh3A_357 = math.tanh %add3A_356 : vector<4096x128xf32>
    %sub3A_358 = arith.constant 1.000000e+00 : f32
    %sub3A_359 = vector.broadcast %sub3A_358 : f32 to vector<4096x128xf32>
    %sub3A_360 = arith.subf %sub3A_359, %mul3A_347 : vector<4096x128xf32>
    %mul3A_361 = arith.mulf %sub3A_360, %tanh3A_357 : vector<4096x128xf32>
    %add3A_362 = arith.addf %mul3A_361, %mul3A_347 : vector<4096x128xf32>
    %jit3A = arith.constant 1.000000e+00 : f32
    %broadcast_in_dim3A = vector.shape_cast %eq3A_46 : vector<4096x1xi1> to vector<4096x1xi1>
    %broadcast_in_dim3A_363 = vector.broadcast %broadcast_in_dim3A : vector<4096x1xi1> to vector<4096x128xi1>
    %broadcast_in_dim3A_364 = vector.broadcast %jit3A : f32 to vector<4096x128xf32>
    %select_n3A = arith.select %broadcast_in_dim3A_363, %add3A_204, %broadcast_in_dim3A_364 : vector<4096x128xi1>, vector<4096x128xf32>
    %broadcast_in_dim3A_365 = vector.shape_cast %eq3A_43 : vector<4096x1xi1> to vector<4096x1xi1>
    %broadcast_in_dim3A_366 = vector.broadcast %broadcast_in_dim3A_365 : vector<4096x1xi1> to vector<4096x128xi1>
    %select_n3A_367 = arith.select %broadcast_in_dim3A_366, %add3A_125, %select_n3A : vector<4096x128xi1>, vector<4096x128xf32>
    %jit3A_368 = arith.constant 1.000000e+00 : f32
    %broadcast_in_dim3A_369 = vector.shape_cast %eq3A_46 : vector<4096x1xi1> to vector<4096x1xi1>
    %broadcast_in_dim3A_370 = vector.broadcast %broadcast_in_dim3A_369 : vector<4096x1xi1> to vector<4096x128xi1>
    %broadcast_in_dim3A_371 = vector.broadcast %jit3A_368 : f32 to vector<4096x128xf32>
    %select_n3A_372 = arith.select %broadcast_in_dim3A_370, %add3A_362, %broadcast_in_dim3A_371 : vector<4096x128xi1>, vector<4096x128xf32>
    %broadcast_in_dim3A_373 = vector.shape_cast %eq3A_43 : vector<4096x1xi1> to vector<4096x1xi1>
    %broadcast_in_dim3A_374 = vector.broadcast %broadcast_in_dim3A_373 : vector<4096x1xi1> to vector<4096x128xi1>
    %select_n3A_375 = arith.select %broadcast_in_dim3A_374, %add3A_283, %select_n3A_372 : vector<4096x128xi1>, vector<4096x128xf32>
    %swap3A = arith.constant 0 : index
    %swap3A_376 = arith.constant 0 : index
    %swap3A_377 = vector.load %arg16[%swap3A, %swap3A_376] : memref<4096x128xf32, #tpu.memory_space<vmem>>, vector<4096x128xf32>
    tpu.vector_store %arg16[%swap3A, %swap3A_376], %select_n3A_367 {strides = array<i32>} : memref<4096x128xf32, #tpu.memory_space<vmem>>, vector<4096x128xf32>,
    %swap3A_378 = arith.constant 0 : index
    %swap3A_379 = arith.constant 0 : index
    %swap3A_380 = vector.load %arg17[%swap3A_378, %swap3A_379] : memref<4096x128xf32, #tpu.memory_space<vmem>>, vector<4096x128xf32>
    tpu.vector_store %arg17[%swap3A_378, %swap3A_379], %select_n3A_375 {strides = array<i32>} : memref<4096x128xf32, #tpu.memory_space<vmem>>, vector<4096x128xf32>,
    %swap3A_381 = arith.constant 0 : index
    %swap3A_382 = arith.constant 0 : index
    %swap3A_383 = vector.load %arg19[%swap3A_381, %swap3A_382] : memref<4096x128xf32, #tpu.memory_space<vmem>>, vector<4096x128xf32>
    tpu.vector_store %arg19[%swap3A_381, %swap3A_382], %select_n3A_367 {strides = array<i32>} : memref<4096x128xf32, #tpu.memory_space<vmem>>, vector<4096x128xf32>,
    %get3A_384 = arith.constant 0 : index
    %get3A_385 = arith.constant 0 : index
    %get3A_386 = vector.load %arg10[%get3A_384, %get3A_385] : memref<128x128xf32, #tpu.memory_space<vmem>>, vector<128x128xf32>
    %dot_general3A_387 = arith.constant dense<0.000000e+00> : vector<4096x128xf32>
    %dot_general3A_388 = tpu.matmul %select_n3A_375, %get3A_386, %dot_general3A_387 {dimension_numbers = #tpu.dot_dimension_numbers<[1], [0], [0], [1], [0, 0, 1, 1], [], []>, transpose_lhs_hint = false} : vector<4096x128xf32>, vector<128x128xf32>, vector<4096x128xf32> -> vector<4096x128xf32>
    %get3A_389 = arith.constant 0 : index
    %get3A_390 = arith.constant 0 : index
    %get3A_391 = vector.load %arg11[%get3A_389, %get3A_390] : memref<1x128xf32, #tpu.memory_space<vmem>>, vector<1x128xf32>
    %add3A_392 = vector.broadcast %get3A_391 : vector<1x128xf32> to vector<4096x128xf32>
    %add3A_393 = arith.addf %dot_general3A_388, %add3A_392 : vector<4096x128xf32>
    %max3A_394 = arith.constant 0.000000e+00 : f32
    %max3A_395 = vector.broadcast %max3A_394 : f32 to vector<4096x128xf32>
    %max3A_396 = arith.maximumf %add3A_393, %max3A_395 : vector<4096x128xf32>
    %get3A_397 = arith.constant 0 : index
    %get3A_398 = arith.constant 0 : index
    %get3A_399 = vector.load %arg12[%get3A_397, %get3A_398] : memref<128x128xf32, #tpu.memory_space<vmem>>, vector<128x128xf32>
    %dot_general3A_400 = arith.constant dense<0.000000e+00> : vector<4096x128xf32>
    %dot_general3A_401 = tpu.matmul %max3A_396, %get3A_399, %dot_general3A_400 {dimension_numbers = #tpu.dot_dimension_numbers<[1], [0], [0], [1], [0, 0, 1, 1], [], []>, transpose_lhs_hint = false} : vector<4096x128xf32>, vector<128x128xf32>, vector<4096x128xf32> -> vector<4096x128xf32>
    %get3A_402 = arith.constant 0 : index
    %get3A_403 = arith.constant 0 : index
    %get3A_404 = vector.load %arg13[%get3A_402, %get3A_403] : memref<1x128xf32, #tpu.memory_space<vmem>>, vector<1x128xf32>
    %add3A_405 = vector.broadcast %get3A_404 : vector<1x128xf32> to vector<4096x128xf32>
    %add3A_406 = arith.addf %dot_general3A_401, %add3A_405 : vector<4096x128xf32>
    %max3A_407 = arith.constant 0.000000e+00 : f32
    %max3A_408 = vector.broadcast %max3A_407 : f32 to vector<4096x128xf32>
    %max3A_409 = arith.maximumf %add3A_406, %max3A_408 : vector<4096x128xf32>
    %get3A_410 = arith.constant 0 : index
    %get3A_411 = arith.constant 0 : index
    %get3A_412 = vector.load %arg14[%get3A_410, %get3A_411] : memref<128x1xf32, #tpu.memory_space<vmem>>, vector<128x1xf32>
    %dot_general3A_413 = arith.constant dense<0.000000e+00> : vector<4096x1xf32>
    %dot_general3A_414 = tpu.matmul %max3A_409, %get3A_412, %dot_general3A_413 {dimension_numbers = #tpu.dot_dimension_numbers<[1], [0], [0], [1], [0, 0, 1, 1], [], []>, transpose_lhs_hint = false} : vector<4096x128xf32>, vector<128x1xf32>, vector<4096x1xf32> -> vector<4096x1xf32>
    %get3A_415 = arith.constant 0 : index
    %get3A_416 = arith.constant 0 : index
    %get3A_417 = vector.load %arg15[%get3A_415, %get3A_416] : memref<1x1xf32, #tpu.memory_space<vmem>>, vector<1x1xf32>
    %add3A_418 = vector.broadcast %get3A_417 : vector<1x1xf32> to vector<4096x1xf32>
    %add3A_419 = arith.addf %dot_general3A_414, %add3A_418 : vector<4096x1xf32>
    %slice3A_420 = vector.extract_strided_slice %add3A_419 {offsets = [0, 0], sizes = [128, 1], strides = [1, 1]} : vector<4096x1xf32> to vector<128x1xf32>
    %dot_general3A_421 = arith.constant dense<0.000000e+00> : vector<1x128xf32>
    %dot_general3A_422 = tpu.matmul %slice3A_420, %convert_element_type3A_3, %dot_general3A_421 {dimension_numbers = #tpu.dot_dimension_numbers<[0], [0], [1], [1], [0, 1, 1, 1], [], []>, transpose_lhs_hint = false} : vector<128x1xf32>, vector<128x128xf32>, vector<1x128xf32> -> vector<1x128xf32>
    %slice3A_423 = vector.extract_strided_slice %add3A_419 {offsets = [128, 0], sizes = [128, 1], strides = [1, 1]} : vector<4096x1xf32> to vector<128x1xf32>
    %dot_general3A_424 = arith.constant dense<0.000000e+00> : vector<1x128xf32>
    %dot_general3A_425 = tpu.matmul %slice3A_423, %convert_element_type3A_3, %dot_general3A_424 {dimension_numbers = #tpu.dot_dimension_numbers<[0], [0], [1], [1], [0, 1, 1, 1], [], []>, transpose_lhs_hint = false} : vector<128x1xf32>, vector<128x128xf32>, vector<1x128xf32> -> vector<1x128xf32>
    %slice3A_426 = vector.extract_strided_slice %add3A_419 {offsets = [256, 0], sizes = [128, 1], strides = [1, 1]} : vector<4096x1xf32> to vector<128x1xf32>
    %dot_general3A_427 = arith.constant dense<0.000000e+00> : vector<1x128xf32>
    %dot_general3A_428 = tpu.matmul %slice3A_426, %convert_element_type3A_3, %dot_general3A_427 {dimension_numbers = #tpu.dot_dimension_numbers<[0], [0], [1], [1], [0, 1, 1, 1], [], []>, transpose_lhs_hint = false} : vector<128x1xf32>, vector<128x128xf32>, vector<1x128xf32> -> vector<1x128xf32>
    %slice3A_429 = vector.extract_strided_slice %add3A_419 {offsets = [384, 0], sizes = [128, 1], strides = [1, 1]} : vector<4096x1xf32> to vector<128x1xf32>
    %dot_general3A_430 = arith.constant dense<0.000000e+00> : vector<1x128xf32>
    %dot_general3A_431 = tpu.matmul %slice3A_429, %convert_element_type3A_3, %dot_general3A_430 {dimension_numbers = #tpu.dot_dimension_numbers<[0], [0], [1], [1], [0, 1, 1, 1], [], []>, transpose_lhs_hint = false} : vector<128x1xf32>, vector<128x128xf32>, vector<1x128xf32> -> vector<1x128xf32>
    %slice3A_432 = vector.extract_strided_slice %add3A_419 {offsets = [512, 0], sizes = [128, 1], strides = [1, 1]} : vector<4096x1xf32> to vector<128x1xf32>
    %dot_general3A_433 = arith.constant dense<0.000000e+00> : vector<1x128xf32>
    %dot_general3A_434 = tpu.matmul %slice3A_432, %convert_element_type3A_3, %dot_general3A_433 {dimension_numbers = #tpu.dot_dimension_numbers<[0], [0], [1], [1], [0, 1, 1, 1], [], []>, transpose_lhs_hint = false} : vector<128x1xf32>, vector<128x128xf32>, vector<1x128xf32> -> vector<1x128xf32>
    %slice3A_435 = vector.extract_strided_slice %add3A_419 {offsets = [640, 0], sizes = [128, 1], strides = [1, 1]} : vector<4096x1xf32> to vector<128x1xf32>
    %dot_general3A_436 = arith.constant dense<0.000000e+00> : vector<1x128xf32>
    %dot_general3A_437 = tpu.matmul %slice3A_435, %convert_element_type3A_3, %dot_general3A_436 {dimension_numbers = #tpu.dot_dimension_numbers<[0], [0], [1], [1], [0, 1, 1, 1], [], []>, transpose_lhs_hint = false} : vector<128x1xf32>, vector<128x128xf32>, vector<1x128xf32> -> vector<1x128xf32>
    %slice3A_438 = vector.extract_strided_slice %add3A_419 {offsets = [768, 0], sizes = [128, 1], strides = [1, 1]} : vector<4096x1xf32> to vector<128x1xf32>
    %dot_general3A_439 = arith.constant dense<0.000000e+00> : vector<1x128xf32>
    %dot_general3A_440 = tpu.matmul %slice3A_438, %convert_element_type3A_3, %dot_general3A_439 {dimension_numbers = #tpu.dot_dimension_numbers<[0], [0], [1], [1], [0, 1, 1, 1], [], []>, transpose_lhs_hint = false} : vector<128x1xf32>, vector<128x128xf32>, vector<1x128xf32> -> vector<1x128xf32>
    %slice3A_441 = vector.extract_strided_slice %add3A_419 {offsets = [896, 0], sizes = [128, 1], strides = [1, 1]} : vector<4096x1xf32> to vector<128x1xf32>
    %dot_general3A_442 = arith.constant dense<0.000000e+00> : vector<1x128xf32>
    %dot_general3A_443 = tpu.matmul %slice3A_441, %convert_element_type3A_3, %dot_general3A_442 {dimension_numbers = #tpu.dot_dimension_numbers<[0], [0], [1], [1], [0, 1, 1, 1], [], []>, transpose_lhs_hint = false} : vector<128x1xf32>, vector<128x128xf32>, vector<1x128xf32> -> vector<1x128xf32>
    %slice3A_444 = vector.extract_strided_slice %add3A_419 {offsets = [1024, 0], sizes = [128, 1], strides = [1, 1]} : vector<4096x1xf32> to vector<128x1xf32>
    %dot_general3A_445 = arith.constant dense<0.000000e+00> : vector<1x128xf32>
    %dot_general3A_446 = tpu.matmul %slice3A_444, %convert_element_type3A_3, %dot_general3A_445 {dimension_numbers = #tpu.dot_dimension_numbers<[0], [0], [1], [1], [0, 1, 1, 1], [], []>, transpose_lhs_hint = false} : vector<128x1xf32>, vector<128x128xf32>, vector<1x128xf32> -> vector<1x128xf32>
    %slice3A_447 = vector.extract_strided_slice %add3A_419 {offsets = [1152, 0], sizes = [128, 1], strides = [1, 1]} : vector<4096x1xf32> to vector<128x1xf32>
    %dot_general3A_448 = arith.constant dense<0.000000e+00> : vector<1x128xf32>
    %dot_general3A_449 = tpu.matmul %slice3A_447, %convert_element_type3A_3, %dot_general3A_448 {dimension_numbers = #tpu.dot_dimension_numbers<[0], [0], [1], [1], [0, 1, 1, 1], [], []>, transpose_lhs_hint = false} : vector<128x1xf32>, vector<128x128xf32>, vector<1x128xf32> -> vector<1x128xf32>
    %slice3A_450 = vector.extract_strided_slice %add3A_419 {offsets = [1280, 0], sizes = [128, 1], strides = [1, 1]} : vector<4096x1xf32> to vector<128x1xf32>
    %dot_general3A_451 = arith.constant dense<0.000000e+00> : vector<1x128xf32>
    %dot_general3A_452 = tpu.matmul %slice3A_450, %convert_element_type3A_3, %dot_general3A_451 {dimension_numbers = #tpu.dot_dimension_numbers<[0], [0], [1], [1], [0, 1, 1, 1], [], []>, transpose_lhs_hint = false} : vector<128x1xf32>, vector<128x128xf32>, vector<1x128xf32> -> vector<1x128xf32>
    %slice3A_453 = vector.extract_strided_slice %add3A_419 {offsets = [1408, 0], sizes = [128, 1], strides = [1, 1]} : vector<4096x1xf32> to vector<128x1xf32>
    %dot_general3A_454 = arith.constant dense<0.000000e+00> : vector<1x128xf32>
    %dot_general3A_455 = tpu.matmul %slice3A_453, %convert_element_type3A_3, %dot_general3A_454 {dimension_numbers = #tpu.dot_dimension_numbers<[0], [0], [1], [1], [0, 1, 1, 1], [], []>, transpose_lhs_hint = false} : vector<128x1xf32>, vector<128x128xf32>, vector<1x128xf32> -> vector<1x128xf32>
    %slice3A_456 = vector.extract_strided_slice %add3A_419 {offsets = [1536, 0], sizes = [128, 1], strides = [1, 1]} : vector<4096x1xf32> to vector<128x1xf32>
    %dot_general3A_457 = arith.constant dense<0.000000e+00> : vector<1x128xf32>
    %dot_general3A_458 = tpu.matmul %slice3A_456, %convert_element_type3A_3, %dot_general3A_457 {dimension_numbers = #tpu.dot_dimension_numbers<[0], [0], [1], [1], [0, 1, 1, 1], [], []>, transpose_lhs_hint = false} : vector<128x1xf32>, vector<128x128xf32>, vector<1x128xf32> -> vector<1x128xf32>
    %slice3A_459 = vector.extract_strided_slice %add3A_419 {offsets = [1664, 0], sizes = [128, 1], strides = [1, 1]} : vector<4096x1xf32> to vector<128x1xf32>
    %dot_general3A_460 = arith.constant dense<0.000000e+00> : vector<1x128xf32>
    %dot_general3A_461 = tpu.matmul %slice3A_459, %convert_element_type3A_3, %dot_general3A_460 {dimension_numbers = #tpu.dot_dimension_numbers<[0], [0], [1], [1], [0, 1, 1, 1], [], []>, transpose_lhs_hint = false} : vector<128x1xf32>, vector<128x128xf32>, vector<1x128xf32> -> vector<1x128xf32>
    %slice3A_462 = vector.extract_strided_slice %add3A_419 {offsets = [1792, 0], sizes = [128, 1], strides = [1, 1]} : vector<4096x1xf32> to vector<128x1xf32>
    %dot_general3A_463 = arith.constant dense<0.000000e+00> : vector<1x128xf32>
    %dot_general3A_464 = tpu.matmul %slice3A_462, %convert_element_type3A_3, %dot_general3A_463 {dimension_numbers = #tpu.dot_dimension_numbers<[0], [0], [1], [1], [0, 1, 1, 1], [], []>, transpose_lhs_hint = false} : vector<128x1xf32>, vector<128x128xf32>, vector<1x128xf32> -> vector<1x128xf32>
    %slice3A_465 = vector.extract_strided_slice %add3A_419 {offsets = [1920, 0], sizes = [128, 1], strides = [1, 1]} : vector<4096x1xf32> to vector<128x1xf32>
    %dot_general3A_466 = arith.constant dense<0.000000e+00> : vector<1x128xf32>
    %dot_general3A_467 = tpu.matmul %slice3A_465, %convert_element_type3A_3, %dot_general3A_466 {dimension_numbers = #tpu.dot_dimension_numbers<[0], [0], [1], [1], [0, 1, 1, 1], [], []>, transpose_lhs_hint = false} : vector<128x1xf32>, vector<128x128xf32>, vector<1x128xf32> -> vector<1x128xf32>
    %slice3A_468 = vector.extract_strided_slice %add3A_419 {offsets = [2048, 0], sizes = [128, 1], strides = [1, 1]} : vector<4096x1xf32> to vector<128x1xf32>
    %dot_general3A_469 = arith.constant dense<0.000000e+00> : vector<1x128xf32>
    %dot_general3A_470 = tpu.matmul %slice3A_468, %convert_element_type3A_3, %dot_general3A_469 {dimension_numbers = #tpu.dot_dimension_numbers<[0], [0], [1], [1], [0, 1, 1, 1], [], []>, transpose_lhs_hint = false} : vector<128x1xf32>, vector<128x128xf32>, vector<1x128xf32> -> vector<1x128xf32>
    %slice3A_471 = vector.extract_strided_slice %add3A_419 {offsets = [2176, 0], sizes = [128, 1], strides = [1, 1]} : vector<4096x1xf32> to vector<128x1xf32>
    %dot_general3A_472 = arith.constant dense<0.000000e+00> : vector<1x128xf32>
    %dot_general3A_473 = tpu.matmul %slice3A_471, %convert_element_type3A_3, %dot_general3A_472 {dimension_numbers = #tpu.dot_dimension_numbers<[0], [0], [1], [1], [0, 1, 1, 1], [], []>, transpose_lhs_hint = false} : vector<128x1xf32>, vector<128x128xf32>, vector<1x128xf32> -> vector<1x128xf32>
    %slice3A_474 = vector.extract_strided_slice %add3A_419 {offsets = [2304, 0], sizes = [128, 1], strides = [1, 1]} : vector<4096x1xf32> to vector<128x1xf32>
    %dot_general3A_475 = arith.constant dense<0.000000e+00> : vector<1x128xf32>
    %dot_general3A_476 = tpu.matmul %slice3A_474, %convert_element_type3A_3, %dot_general3A_475 {dimension_numbers = #tpu.dot_dimension_numbers<[0], [0], [1], [1], [0, 1, 1, 1], [], []>, transpose_lhs_hint = false} : vector<128x1xf32>, vector<128x128xf32>, vector<1x128xf32> -> vector<1x128xf32>
    %slice3A_477 = vector.extract_strided_slice %add3A_419 {offsets = [2432, 0], sizes = [128, 1], strides = [1, 1]} : vector<4096x1xf32> to vector<128x1xf32>
    %dot_general3A_478 = arith.constant dense<0.000000e+00> : vector<1x128xf32>
    %dot_general3A_479 = tpu.matmul %slice3A_477, %convert_element_type3A_3, %dot_general3A_478 {dimension_numbers = #tpu.dot_dimension_numbers<[0], [0], [1], [1], [0, 1, 1, 1], [], []>, transpose_lhs_hint = false} : vector<128x1xf32>, vector<128x128xf32>, vector<1x128xf32> -> vector<1x128xf32>
    %slice3A_480 = vector.extract_strided_slice %add3A_419 {offsets = [2560, 0], sizes = [128, 1], strides = [1, 1]} : vector<4096x1xf32> to vector<128x1xf32>
    %dot_general3A_481 = arith.constant dense<0.000000e+00> : vector<1x128xf32>
    %dot_general3A_482 = tpu.matmul %slice3A_480, %convert_element_type3A_3, %dot_general3A_481 {dimension_numbers = #tpu.dot_dimension_numbers<[0], [0], [1], [1], [0, 1, 1, 1], [], []>, transpose_lhs_hint = false} : vector<128x1xf32>, vector<128x128xf32>, vector<1x128xf32> -> vector<1x128xf32>
    %slice3A_483 = vector.extract_strided_slice %add3A_419 {offsets = [2688, 0], sizes = [128, 1], strides = [1, 1]} : vector<4096x1xf32> to vector<128x1xf32>
    %dot_general3A_484 = arith.constant dense<0.000000e+00> : vector<1x128xf32>
    %dot_general3A_485 = tpu.matmul %slice3A_483, %convert_element_type3A_3, %dot_general3A_484 {dimension_numbers = #tpu.dot_dimension_numbers<[0], [0], [1], [1], [0, 1, 1, 1], [], []>, transpose_lhs_hint = false} : vector<128x1xf32>, vector<128x128xf32>, vector<1x128xf32> -> vector<1x128xf32>
    %slice3A_486 = vector.extract_strided_slice %add3A_419 {offsets = [2816, 0], sizes = [128, 1], strides = [1, 1]} : vector<4096x1xf32> to vector<128x1xf32>
    %dot_general3A_487 = arith.constant dense<0.000000e+00> : vector<1x128xf32>
    %dot_general3A_488 = tpu.matmul %slice3A_486, %convert_element_type3A_3, %dot_general3A_487 {dimension_numbers = #tpu.dot_dimension_numbers<[0], [0], [1], [1], [0, 1, 1, 1], [], []>, transpose_lhs_hint = false} : vector<128x1xf32>, vector<128x128xf32>, vector<1x128xf32> -> vector<1x128xf32>
    %slice3A_489 = vector.extract_strided_slice %add3A_419 {offsets = [2944, 0], sizes = [128, 1], strides = [1, 1]} : vector<4096x1xf32> to vector<128x1xf32>
    %dot_general3A_490 = arith.constant dense<0.000000e+00> : vector<1x128xf32>
    %dot_general3A_491 = tpu.matmul %slice3A_489, %convert_element_type3A_3, %dot_general3A_490 {dimension_numbers = #tpu.dot_dimension_numbers<[0], [0], [1], [1], [0, 1, 1, 1], [], []>, transpose_lhs_hint = false} : vector<128x1xf32>, vector<128x128xf32>, vector<1x128xf32> -> vector<1x128xf32>
    %slice3A_492 = vector.extract_strided_slice %add3A_419 {offsets = [3072, 0], sizes = [128, 1], strides = [1, 1]} : vector<4096x1xf32> to vector<128x1xf32>
    %dot_general3A_493 = arith.constant dense<0.000000e+00> : vector<1x128xf32>
    %dot_general3A_494 = tpu.matmul %slice3A_492, %convert_element_type3A_3, %dot_general3A_493 {dimension_numbers = #tpu.dot_dimension_numbers<[0], [0], [1], [1], [0, 1, 1, 1], [], []>, transpose_lhs_hint = false} : vector<128x1xf32>, vector<128x128xf32>, vector<1x128xf32> -> vector<1x128xf32>
    %slice3A_495 = vector.extract_strided_slice %add3A_419 {offsets = [3200, 0], sizes = [128, 1], strides = [1, 1]} : vector<4096x1xf32> to vector<128x1xf32>
    %dot_general3A_496 = arith.constant dense<0.000000e+00> : vector<1x128xf32>
    %dot_general3A_497 = tpu.matmul %slice3A_495, %convert_element_type3A_3, %dot_general3A_496 {dimension_numbers = #tpu.dot_dimension_numbers<[0], [0], [1], [1], [0, 1, 1, 1], [], []>, transpose_lhs_hint = false} : vector<128x1xf32>, vector<128x128xf32>, vector<1x128xf32> -> vector<1x128xf32>
    %slice3A_498 = vector.extract_strided_slice %add3A_419 {offsets = [3328, 0], sizes = [128, 1], strides = [1, 1]} : vector<4096x1xf32> to vector<128x1xf32>
    %dot_general3A_499 = arith.constant dense<0.000000e+00> : vector<1x128xf32>
    %dot_general3A_500 = tpu.matmul %slice3A_498, %convert_element_type3A_3, %dot_general3A_499 {dimension_numbers = #tpu.dot_dimension_numbers<[0], [0], [1], [1], [0, 1, 1, 1], [], []>, transpose_lhs_hint = false} : vector<128x1xf32>, vector<128x128xf32>, vector<1x128xf32> -> vector<1x128xf32>
    %slice3A_501 = vector.extract_strided_slice %add3A_419 {offsets = [3456, 0], sizes = [128, 1], strides = [1, 1]} : vector<4096x1xf32> to vector<128x1xf32>
    %dot_general3A_502 = arith.constant dense<0.000000e+00> : vector<1x128xf32>
    %dot_general3A_503 = tpu.matmul %slice3A_501, %convert_element_type3A_3, %dot_general3A_502 {dimension_numbers = #tpu.dot_dimension_numbers<[0], [0], [1], [1], [0, 1, 1, 1], [], []>, transpose_lhs_hint = false} : vector<128x1xf32>, vector<128x128xf32>, vector<1x128xf32> -> vector<1x128xf32>
    %slice3A_504 = vector.extract_strided_slice %add3A_419 {offsets = [3584, 0], sizes = [128, 1], strides = [1, 1]} : vector<4096x1xf32> to vector<128x1xf32>
    %dot_general3A_505 = arith.constant dense<0.000000e+00> : vector<1x128xf32>
    %dot_general3A_506 = tpu.matmul %slice3A_504, %convert_element_type3A_3, %dot_general3A_505 {dimension_numbers = #tpu.dot_dimension_numbers<[0], [0], [1], [1], [0, 1, 1, 1], [], []>, transpose_lhs_hint = false} : vector<128x1xf32>, vector<128x128xf32>, vector<1x128xf32> -> vector<1x128xf32>
    %slice3A_507 = vector.extract_strided_slice %add3A_419 {offsets = [3712, 0], sizes = [128, 1], strides = [1, 1]} : vector<4096x1xf32> to vector<128x1xf32>
    %dot_general3A_508 = arith.constant dense<0.000000e+00> : vector<1x128xf32>
    %dot_general3A_509 = tpu.matmul %slice3A_507, %convert_element_type3A_3, %dot_general3A_508 {dimension_numbers = #tpu.dot_dimension_numbers<[0], [0], [1], [1], [0, 1, 1, 1], [], []>, transpose_lhs_hint = false} : vector<128x1xf32>, vector<128x128xf32>, vector<1x128xf32> -> vector<1x128xf32>
    %slice3A_510 = vector.extract_strided_slice %add3A_419 {offsets = [3840, 0], sizes = [128, 1], strides = [1, 1]} : vector<4096x1xf32> to vector<128x1xf32>
    %dot_general3A_511 = arith.constant dense<0.000000e+00> : vector<1x128xf32>
    %dot_general3A_512 = tpu.matmul %slice3A_510, %convert_element_type3A_3, %dot_general3A_511 {dimension_numbers = #tpu.dot_dimension_numbers<[0], [0], [1], [1], [0, 1, 1, 1], [], []>, transpose_lhs_hint = false} : vector<128x1xf32>, vector<128x128xf32>, vector<1x128xf32> -> vector<1x128xf32>
    %slice3A_513 = vector.extract_strided_slice %add3A_419 {offsets = [3968, 0], sizes = [128, 1], strides = [1, 1]} : vector<4096x1xf32> to vector<128x1xf32>
    %dot_general3A_514 = arith.constant dense<0.000000e+00> : vector<1x128xf32>
    %dot_general3A_515 = tpu.matmul %slice3A_513, %convert_element_type3A_3, %dot_general3A_514 {dimension_numbers = #tpu.dot_dimension_numbers<[0], [0], [1], [1], [0, 1, 1, 1], [], []>, transpose_lhs_hint = false} : vector<128x1xf32>, vector<128x128xf32>, vector<1x128xf32> -> vector<1x128xf32>
    %concatenate3A_516 = tpu.concatenate %dot_general3A_422, %dot_general3A_425, %dot_general3A_428, %dot_general3A_431, %dot_general3A_434, %dot_general3A_437, %dot_general3A_440, %dot_general3A_443, %dot_general3A_446, %dot_general3A_449, %dot_general3A_452, %dot_general3A_455, %dot_general3A_458, %dot_general3A_461, %dot_general3A_464, %dot_general3A_467, %dot_general3A_470, %dot_general3A_473, %dot_general3A_476, %dot_general3A_479, %dot_general3A_482, %dot_general3A_485, %dot_general3A_488, %dot_general3A_491, %dot_general3A_494, %dot_general3A_497, %dot_general3A_500, %dot_general3A_503, %dot_general3A_506, %dot_general3A_509, %dot_general3A_512, %dot_general3A_515 in 1 : vector<1x128xf32>, vector<1x128xf32>, vector<1x128xf32>, vector<1x128xf32>, vector<1x128xf32>, vector<1x128xf32>, vector<1x128xf32>, vector<1x128xf32>, vector<1x128xf32>, vector<1x128xf32>, vector<1x128xf32>, vector<1x128xf32>, vector<1x128xf32>, vector<1x128xf32>, vector<1x128xf32>, vector<1x128xf32>, vector<1x128xf32>, vector<1x128xf32>, vector<1x128xf32>, vector<1x128xf32>, vector<1x128xf32>, vector<1x128xf32>, vector<1x128xf32>, vector<1x128xf32>, vector<1x128xf32>, vector<1x128xf32>, vector<1x128xf32>, vector<1x128xf32>, vector<1x128xf32>, vector<1x128xf32>, vector<1x128xf32>, vector<1x128xf32> -> vector<1x4096xf32>
    %swap3A_517 = arith.constant 0 : index
    %swap3A_518 = arith.constant 0 : index
    %swap3A_519 = vector.load %arg18[%swap3A_517, %swap3A_518] : memref<1x4096xf32, #tpu.memory_space<vmem>>, vector<1x4096xf32>
    tpu.vector_store %arg18[%swap3A_517, %swap3A_518], %concatenate3A_516 {strides = array<i32>} : memref<1x4096xf32, #tpu.memory_space<vmem>>, vector<1x4096xf32>,
    return
  }
  func.func @transform_0(%arg0: i32) -> (i32, i32) {
    %c0_i32 = arith.constant 0 : i32
    %c0_i32_0 = arith.constant 0 : i32
    return %arg0, %c0_i32 : i32, i32
  }
  func.func @transform_1(%arg0: i32) -> (i32, i32, i32) {
    %c0_i32 = arith.constant 0 : i32
    %c0_i32_0 = arith.constant 0 : i32
    %c0_i32_1 = arith.constant 0 : i32
    return %arg0, %c0_i32, %c0_i32_0 : i32, i32, i32
  }
  func.func @transform_2(%arg0: i32) -> (i32, i32) {
    %c0_i32 = arith.constant 0 : i32
    %c0_i32_0 = arith.constant 0 : i32
    %c0_i32_1 = arith.constant 0 : i32
    return %c0_i32, %c0_i32_0 : i32, i32
  }
  func.func @transform_3(%arg0: i32) -> (i32, i32, i32) {
    %c0_i32 = arith.constant 0 : i32
    %c0_i32_0 = arith.constant 0 : i32
    %c0_i32_1 = arith.constant 0 : i32
    %c0_i32_2 = arith.constant 0 : i32
    return %c0_i32, %c0_i32_0, %c0_i32_1 : i32, i32, i32
  }
  func.func @transform_4(%arg0: i32) -> (i32, i32, i32) {
    %c0_i32 = arith.constant 0 : i32
    %c0_i32_0 = arith.constant 0 : i32
    %c0_i32_1 = arith.constant 0 : i32
    %c0_i32_2 = arith.constant 0 : i32
    return %c0_i32, %c0_i32_0, %c0_i32_1 : i32, i32, i32
  }
  func.func @transform_5(%arg0: i32) -> (i32, i32, i32) {
    %c0_i32 = arith.constant 0 : i32
    %c0_i32_0 = arith.constant 0 : i32
    %c0_i32_1 = arith.constant 0 : i32
    %c0_i32_2 = arith.constant 0 : i32
    return %c0_i32, %c0_i32_0, %c0_i32_1 : i32, i32, i32
  }
  func.func @transform_6(%arg0: i32) -> (i32, i32, i32) {
    %c0_i32 = arith.constant 0 : i32
    %c0_i32_0 = arith.constant 0 : i32
    %c0_i32_1 = arith.constant 0 : i32
    %c0_i32_2 = arith.constant 0 : i32
    return %c0_i32, %c0_i32_0, %c0_i32_1 : i32, i32, i32
  }
  func.func @transform_7(%arg0: i32) -> (i32, i32, i32) {
    %c0_i32 = arith.constant 0 : i32
    %c0_i32_0 = arith.constant 0 : i32
    %c0_i32_1 = arith.constant 0 : i32
    %c0_i32_2 = arith.constant 0 : i32
    return %c0_i32, %c0_i32_0, %c0_i32_1 : i32, i32, i32
  }
  func.func @transform_8(%arg0: i32) -> (i32, i32, i32) {
    %c0_i32 = arith.constant 0 : i32
    %c0_i32_0 = arith.constant 0 : i32
    %c0_i32_1 = arith.constant 0 : i32
    %c0_i32_2 = arith.constant 0 : i32
    return %c0_i32, %c0_i32_0, %c0_i32_1 : i32, i32, i32
  }
  func.func @transform_9(%arg0: i32) -> (i32, i32) {
    %c0_i32 = arith.constant 0 : i32
    %c0_i32_0 = arith.constant 0 : i32
    %c0_i32_1 = arith.constant 0 : i32
    return %c0_i32, %c0_i32_0 : i32, i32
  }
  func.func @transform_10(%arg0: i32) -> (i32, i32) {
    %c0_i32 = arith.constant 0 : i32
    %c0_i32_0 = arith.constant 0 : i32
    %c0_i32_1 = arith.constant 0 : i32
    return %c0_i32, %c0_i32_0 : i32, i32
  }
  func.func @transform_11(%arg0: i32) -> (i32, i32) {
    %c0_i32 = arith.constant 0 : i32
    %c0_i32_0 = arith.constant 0 : i32
    %c0_i32_1 = arith.constant 0 : i32
    return %c0_i32, %c0_i32_0 : i32, i32
  }
  func.func @transform_12(%arg0: i32) -> (i32, i32) {
    %c0_i32 = arith.constant 0 : i32
    %c0_i32_0 = arith.constant 0 : i32
    %c0_i32_1 = arith.constant 0 : i32
    return %c0_i32, %c0_i32_0 : i32, i32
  }
  func.func @transform_13(%arg0: i32) -> (i32, i32) {
    %c0_i32 = arith.constant 0 : i32
    %c0_i32_0 = arith.constant 0 : i32
    %c0_i32_1 = arith.constant 0 : i32
    return %c0_i32, %c0_i32_0 : i32, i32
  }
  func.func @transform_14(%arg0: i32) -> (i32, i32) {
    %c0_i32 = arith.constant 0 : i32
    %c0_i32_0 = arith.constant 0 : i32
    %c0_i32_1 = arith.constant 0 : i32
    return %c0_i32, %c0_i32_0 : i32, i32
  }
  func.func @transform_15(%arg0: i32) -> (i32, i32) {
    %c0_i32 = arith.constant 0 : i32
    %c0_i32_0 = arith.constant 0 : i32
    return %arg0, %c0_i32 : i32, i32
  }
  func.func @transform_16(%arg0: i32) -> (i32, i32) {
    %c0_i32 = arith.constant 0 : i32
    %c0_i32_0 = arith.constant 0 : i32
    return %arg0, %c0_i32 : i32, i32
  }
  func.func @transform_17(%arg0: i32) -> (i32, i32) {
    %c0_i32 = arith.constant 0 : i32
    %c0_i32_0 = arith.constant 0 : i32
    return %c0_i32, %arg0 : i32, i32
  }
  func.func @transform_18(%arg0: i32) -> (i32, i32) {
    %c0_i32 = arith.constant 0 : i32
    %c0_i32_0 = arith.constant 0 : i32
    return %arg0, %c0_i32 : i32, i32
  }
}

</mosaic_0001>

<sc_bundles>
// kernel: kernel.5.cloned.1.call-start
scs
__scs_entry_jumppad:
0x0: {  	(pc) =	sbr.rel $0x88, $3  }
0x1: {  	(tag) =	ssettag $0x0;
	lr =	simm.s32 $0x1  }
0x2: {  	[smem:$0x3F61] =	sst lr;
	_ =	strace $0xD0000000  }
0x3: {  	_ = 	snop  }
0x4: {  	_ = 	snop  }
0x5: {  	_ = 	snop  }
0x6: {  	_ = 	snop  }
0x7: {  	_ = 	snop  }
__scs_overlays_trampoline_lowered:
0x8: {  	[smem:$0x3F70] =	sst s0  }
0x9: {  	[smem:$0x3F71] =	sst s1  }
0xa: {  	[smem:$0x3F72] =	sst s2  }
0xb: {  	[smem:$0x3F73] =	sst s3  }
0xc: {  	[smem:$0x3F74] =	sst s4  }
0xd: {  	[smem:$0x3F75] =	sst s5  }
0xe: {  	[smem:$0x3F76] =	sst s6  }
0xf: {  	[smem:$0x3F77] =	sst s7  }
0x10: {  	[smem:$0x3F78] =	sst s8  }
0x11: {  	[smem:$0x3F79] =	sst s9;
	s0 =	simm.s32 @!p0 $0x0  }
0x12: {  	s1 =	sld [smem:$0x3F5F];
	s0 =	simm.s32 @p0 $0x1  }
0x13: {  	[smem:$0x3F7A] =	sst s0;
	s0 =	simm.s32 @!p1 $0x0  }
0x14: {  	s2 =	sld [smem:$0x3F5E];
	s0 =	simm.s32 @p1 $0x1  }
0x15: {  	[smem:$0x3F7B] =	sst s0;
	s0 =	simm.s32 @!p2 $0x0  }
0x16: {  	s3 =	sld [smem:$0x3FDB];
	s0 =	simm.s32 @p2 $0x1  }
0x17: {  	s4 =	simm.s32 $0x1BF5;
	[smem:$0x3F7D] =	sst s0  }
0x18: {  	s0 =	sld [smem:$0x3F60];
	_ =	swait.ge [sflag:s4], $0x0  }
0x19: {  	s7 =	sld [smem:$0x3F61]  }
0x1a: {  	s8 =	sadd.s32 $0xFFFFE003, lr  }
0x1b: {  	s9 =	sadd.s32 $0xFFFFFEF7, lr;
	s5 =	simm.s32 $0xFFFFFFFF;
	p2 =	slt.u32 s8, $0xFFFFF086  }
0x1c: {  	p1 =	slt.u32 s9, $0xF7A;
	s5 =	simm.s32 @!p2 $0x0  }
0x1d: {  	s5 =	simm.s32 @p1 $0x1;
	p0 =	seq.s32 s7, s2  }
0x1e: {  	s7 =	smul.u32 @!p0 $0xF7A, s2;
	p2 =	seq.s32 @!p0 s5, $0x0  }
0x1f: {  	s9 =	smul.u32 $0xF7A, s1;
	s8 =	simm.s32 @!p0 $0x1BF5;
	p2 =	por !p2, p0  }
0x20: {  	[sflag:s8] =	ssyncset.s32 @!p0 $0xFFFFF086;
	s6 =	sadd.s32 @!p0 s3, s7;
	s7 =	simm.s32 @!p0 $0x108  }
0x21: {  	s3 =	sadd.s32 s3, s9;
	s6 =	sadd.s32 @!p0 $0x88, s6;
	s7 =	simm.s32 @p2 $0x1082  }
0x22: {  	[simem:s7], [sflag:s8] =	dma.local @!p0 [hbm:s6], $0xF7A  }
0x23: {  	s9 =	sor.u32 $0xD0000000, s2;
	s6 =	simm.s32 $0x108;
	_ =	swait.ge @!p0 [sflag:s8], $0x0  }
0x24: {  	s3 =	sadd.s32 $0x88, s3;
	s6 =	simm.s32 @!p1 $0x1082;
	[sflag:s4] =	ssyncset.s32 $0xFFFFF086  }
0x25: {  	[simem:s6], [sflag:s4] =	dma.local [hbm:s3], $0xF7A  }
0x26: {  	[smem:$0x3F61] =	sst s1;
	(tag) =	ssettag s2;
	_ =	strace s9  }
0x27: {  	s1 =	sld [smem:$0x3F71]  }
0x28: {  	s2 =	sld [smem:$0x3F72]  }
0x29: {  	s4 =	sld [smem:$0x3F74]  }
0x2a: {  	p0 =	seq.s32 s5, $0x0;
	s5 =	sld [smem:$0x3F75]  }
0x2b: {  	s6 =	sld [smem:$0x3F76]  }
0x2c: {  	s7 =	sld [smem:$0x3F77]  }
0x2d: {  	s3 =	simm.s32 $0x108;
	s8 =	sld [smem:$0x3F78]  }
0x2e: {  	s3 =	simm.s32 @!p0 $0x1082;
	s9 =	sld [smem:$0x3F79]  }
0x2f: {  	lr =	sadd.s32 s0, s3;
	s0 =	sld [smem:$0x3F70]  }
0x30: {  	s3 =	sld [smem:$0x3F73]  }
0x31: {  	[smem:$0x3F7C] =	sst s10  }
0x32: {  	s10 =	sld [smem:$0x3F7A];
	_ =	sdelay $0x3  }
0x33: {  	p0 =	seq.s32 s10, $0x1;
	s10 =	sld [smem:$0x3F7C];
	_ =	sdelay $0x3  }
0x34: {  	[smem:$0x3F7C] =	sst s10  }
0x35: {  	s10 =	sld [smem:$0x3F7B];
	_ =	sdelay $0x3  }
0x36: {  	p1 =	seq.s32 s10, $0x1;
	s10 =	sld [smem:$0x3F7C];
	_ =	sdelay $0x3  }
0x37: {  	[smem:$0x3F7C] =	sst s10  }
0x38: {  	s10 =	sld [smem:$0x3F7D]  }
0x39: {  	_ = 	snop;
	(pc) =	sbr.ind lr, $3  }
0x3a: {  	_ = 	snop  }
0x3b: {  	_ = 	snop  }
0x3c: {  	p2 =	seq.s32 s10, $0x1;
	s10 =	sld [smem:$0x3F7C]  }
0x3d: {  	_ =	shalt  }
0x3e: {  	_ =	shalt  }
0x3f: {  	_ =	shalt  }
0x40: {  	_ =	shalt  }
0x41: {  	_ =	shalt  }
0x42: {  	_ =	shalt  }
0x43: {  	_ =	shalt  }
0x44: {  	_ =	shalt  }
0x45: {  	_ =	shalt  }
0x46: {  	_ =	shalt  }
0x47: {  	_ =	shalt  }
0x48: {  	_ =	shalt  }
0x49: {  	_ =	shalt  }
0x4a: {  	_ =	shalt  }
0x4b: {  	_ =	shalt  }
0x4c: {  	_ =	shalt  }
0x4d: {  	_ =	shalt  }
0x4e: {  	_ =	shalt  }
0x4f: {  	_ =	shalt  }
0x50: {  	_ =	shalt  }
0x51: {  	_ =	shalt  }
0x52: {  	_ =	shalt  }
0x53: {  	_ =	shalt  }
0x54: {  	_ =	shalt  }
0x55: {  	_ =	shalt  }
0x56: {  	_ =	shalt  }
0x57: {  	_ =	shalt  }
0x58: {  	_ =	shalt  }
0x59: {  	_ =	shalt  }
0x5a: {  	_ =	shalt  }
0x5b: {  	_ =	shalt  }
0x5c: {  	_ =	shalt  }
0x5d: {  	_ =	shalt  }
0x5e: {  	_ =	shalt  }
0x5f: {  	_ =	shalt  }
0x60: {  	_ =	shalt  }
0x61: {  	_ =	shalt  }
0x62: {  	_ =	shalt  }
0x63: {  	_ =	shalt  }
0x64: {  	_ =	shalt  }
0x65: {  	_ =	shalt  }
0x66: {  	_ =	shalt  }
0x67: {  	_ =	shalt  }
0x68: {  	_ =	shalt  }
0x69: {  	_ =	shalt  }
0x6a: {  	_ =	shalt  }
0x6b: {  	_ =	shalt  }
0x6c: {  	_ =	shalt  }
0x6d: {  	_ =	shalt  }
0x6e: {  	_ =	shalt  }
0x6f: {  	_ =	shalt  }
0x70: {  	_ =	shalt  }
0x71: {  	_ =	shalt  }
0x72: {  	_ =	shalt  }
0x73: {  	_ =	shalt  }
0x74: {  	_ =	shalt  }
0x75: {  	_ =	shalt  }
0x76: {  	_ =	shalt  }
0x77: {  	_ =	shalt  }
0x78: {  	_ =	shalt  }
0x79: {  	_ =	shalt  }
0x7a: {  	_ =	shalt  }
0x7b: {  	_ =	shalt  }
0x7c: {  	_ =	shalt  }
0x7d: {  	_ =	shalt  }
0x7e: {  	_ =	shalt  }
0x7f: {  	_ =	shalt  }
0x80: {  	_ =	shalt  }
0x81: {  	_ =	shalt  }
0x82: {  	_ =	shalt  }
0x83: {  	_ =	shalt  }
0x84: {  	_ =	shalt  }
0x85: {  	_ =	shalt  }
0x86: {  	_ =	shalt  }
0x87: {  	_ =	shalt  }
.Lfunc_end0:
.L_simem_size_0:
called_computation_lowered:
.L_overlay_start_0:
0x88: {  	s2 =	sld [smem:$0x3FD9]  }
0x89: {  	s3 =	sld [smem:$0x3FFE];
	_ =	sdelay $0x1  }
0x8a: {  	s1 =	srdreg.scid  }
0x8b: {  	s0 =	sand.u32 $0x1, s1  }
0x8c: {  	s16 =	sshll.u32 s0, $0xA;
	s2 =	sadd.s32 s3, s2  }
0x8d: {  	s2 =	sadd.s32 s2, s16  }
0x8e: {  	[smem:$0x3F88] =	sst s2  }
0x8f: {  	_ = 	snop  }
0x90: {  	(tm) =	ssettm $0x1  }
0x91: {  	s17 =	sld [smem:$0x3FFB];
	_ =	sdelay $0x3  }
0x92: {  	_ =	strace s17  }
0x93: {  	s2 =	sld [smem:$0x3FFC];
	_ =	sdelay $0x3  }
0x94: {  	_ =	strace s2  }
0x95: {  	s2 =	sld [smem:$0x3FFD];
	_ =	sdelay $0x3  }
0x96: {  	_ =	strace s2  }
0x97: {  	_ =	strace $0x8FFFFFFF  }
0x98: {  	s18 =	sld [smem:$0x3FDB];
	_ =	sdelay $0x1  }
0x99: {  	s19 =	simm.s32 $_scs_section_size  }
0x9a: {  	s4 =	simm.s32 $_size__tile_overlayer_lowered;
	s5 =	simm.s32 $_tile_overlayer_lowered  }
0x9b: {  	s22 =	simm.s32 $0x1BFF;
	s21 =	sshll.u32 s5, $0x1;
	s2 =	sadd.s32 s19, s18  }
0x9c: {  	s6 =	simm.s32 $0x0;
	s20 =	sshll.u32 s4, $0x1;
	s4 =	sadd.s32 s21, s2  }
0x9d: {  	[timem:s6], [sflag:s22] =	dma.local [hbm:s4], s20  }
0x9e: {  	_ =	swait.ge [sflag:s22], s20  }
0x9f: {  	s3 =	ssub.s32 $0x0, s20;
	[sflag:s22] =	ssyncset.done $0x0  }
0xa0: {  	[sflag:s22] =	ssyncadd.s32 s3;
	_ =	sdelay $0x1  }
0xa1: {  	s23 =	simm.s32 $0x1B8B  }
0xa2: {  	_ =	swait.ge [sflag:s23], $0x1  }
0xa3: {  	[sflag:s23] =	ssyncset.done $0x0  }
0xa4: {  	s25 =	simm.s32 $0x1B8E;
	s24 =	sld [smem:$0x3FFE];
	[sflag:s23] =	ssyncadd.s32 $0xFFFFFFFF  }
0xa5: {  	s26 =	simm.s32 $execute0_lowered;
	[smem:$0x3FD2] =	sst s25  }
0xa6: {  	s4 =	sshll.u32 s26, $0x1;
	_ =	strace $0x80000046;
	[dreg:$0x1] =	wrdreg $0xFFFFFFFF  }
0xa7: {  	s28 =	simm.s32 $_size_execute0_lowered;
	s2 =	sadd.s32 s2, s4;
	[dreg:$0x0] =	wrdreg $0x0  }
0xa8: {  	s4 =	sshll.u32 s28, $0x1;
	[dreg:$0x2] =	wrdreg s2  }
0xa9: {  	[dreg:$0x3] =	wrdreg s4  }
0xaa: {  	[dreg:$0x4] =	wrdreg $0xC0  }
0xab: {  	_ =	task [dreg:s6], $0x5FFFF  }
0xac: {  	[dreg:$0x1] =	wrdreg $0xFFFFFFFF  }
0xad: {  	[dreg:$0x0] =	wrdreg $0x60  }
0xae: {  	[dreg:$0x2] =	wrdreg s24  }
0xaf: {  	[dreg:$0x3] =	wrdreg $0x9  }
0xb0: {  	_ =	task.clear_ibuf [dreg:s6], $0x4FFFF;
	_ =	strace $0x90000046  }
0xb1: {  	s29 =	simm.s32 $0x9;
	_ =	strace $0x80000048  }
0xb2: {  	_ =	swait.ge [sflag:s29], $0x1  }
0xb3: {  	[sflag:s29] =	ssyncadd.s32 $0xFFFFFFFF  }
0xb4: {  	_ =	strace $0x90000048  }
0xb5: {  	_ =	sfence  }
0xb6: {  	s30 =	sld [smem:$0x0];
	_ =	sdelay $0x2  }
0xb7: {  	s31 =	sshll.u32 s1, $0xD;
	s1 =	sshrl.u32 s1, $0x2  }
0xb8: {  	s3 =	sand.u32 $0x4000, s31;
	s1 =	sadd.s32 s1, s30  }
0xb9: {  	s0 =	sor.u32 s3, s0;
	s1 =	sshll.u32 s1, $0x11  }
0xba: {  	s0 =	sor.u32 s1, s0  }
0xbb: {  	s0 =	sadd.s32 $0x8F2B, s0  }
0xbc: {  	[sflag:s0] =	ssyncadd.remote.s32 $0x1  }
0xbd: {  	_ =	sfence.sel $0xFFFF  }
0xbe: {  	[dreg:$0x0] =	wrdreg $0xFFFFFFFF;
	(pc) =	sbr.abs _section_cstart, $3  }
0xbf: {  	[dreg:$0x1] =	wrdreg $0xFFFFFFFF  }
0xc0: {  	_ =	task.clear_ibuf [dreg:s6], $0x2FFFF;
	_ =	strace $0x9FFFFFFF  }
0xc1: {  	(tm) =	ssettm $0x7FFFFFFF  }
tec
execute0_lowered:
.L_overlay_start_1:
0x0: {  	(tag) =	ssettag $0x1  }
0x1: {  	s1 =	srdreg.scid;
	s0 =	stileid.u32  }
0x2: {  	s6 =	sand.u32 $0x1, s1;
	s30 =	sshll.u32 s0, $0x1  }
0x3: {  	s9 =	rddreg [dreg:$0x0];
	s7 =	sor.u32 s6, s30  }
0x4: {  	s2 =	simm.s32 $0x0;
	s1 =	rddreg [dreg:$0x1];
	s3 =	smul.u32 $0x4F, s7  }
0x5: {  	s8 =	simm.s32 $0x1;
	[smem:$0x7FF] =	sst s2;
	s5 =	sadd.s32 $0x1C00, s9  }
0x6: {  	_ =	strace $0x80000047;
	s11 =	ssub.s32 $0x2, s6;
	s3 =	sadd.s32 s3, s9  }
0x7: {  	s6 =	simm.s32 $0x278;
	s4 =	sadd.s32 $0x1200, s3;
	s3 =	simm.s32 $0x2  }
0x8: {  	[tilespmem:s2], [sflag:$0x2] =	stream.linear.gather [hbm4b:s4+s2], $0x278, $0x38;
	[tilespmem:$0x13E80] =	vst v63  }
0x9: {  	s10 =	smul.u32 $0x2780, s7;
	s12 =	sshrl.u32 s11, $0x1;
	_ =	swait.ge [sflag:s3], $0x278  }
0xa: {  	s7 =	simm.s32 $0x280;
	s31 =	ssub.s32 s11, s12;
	[sflag:s3] =	ssyncset.done $0x0  }
0xb: {  	s9 =	sadd.s32 s10, s9;
	s10 =	smax.u32 s31, $0x1;
	[sflag:s3] =	ssyncadd.s32 $0xFFFFFD88  }
0xc: {  	[tilespmem:s7], [sflag:$0x1] =	stream.indirect.gather [hbm4b:s5+s6], $0x80, s2, s6, $0xb8;
	[tilespmem:$0x13E80] =	vst v63  }
0xd: {  	p0 =	sne.s32 s10, $0x1;
	_ =	swait.ge [sflag:s8], $0x13C00  }
.Ltmp0:
0xe: {  	[sflag:s8] =	ssyncset.done $0x0;
	(pc) =	sbr.rel @!p0 .LBB2_2-.Ltmp0, $4  }
0xf: {  	s9 =	sadd.s32 $0x188600, s9;
	[sflag:s8] =	ssyncadd.s32 $0xFFFEC400  }
0x10: {  	[hbm4b:s9+s2] =	stream.linear.scatter [tilespmem:s7], [sflag:$0x2], $0x13C00, $0x38;
	[tilespmem:$0x13E80] =	vst v63  }
0x11: {  	_ =	swait.ge [sflag:s3], $0x13C00  }
0x12: {  	s10 =	sadd.s32 $0xFFFFFFFF, s10;
	[sflag:s3] =	ssyncset.done $0x0  }
.LBB2_1:
0x13: {  	p0 =	sne.s32 s10, $0x1;
	s10 =	sadd.s32 $0xFFFFFFFF, s10;
	[sflag:s3] =	ssyncadd.s32 $0xFFFEC400  }
0x14: {  	[tilespmem:s2], [sflag:$0x2] =	stream.linear.gather [hbm4b:s4+s2], $0x278, $0x38;
	[tilespmem:$0x13E80] =	vst v63  }
0x15: {  	_ =	swait.ge [sflag:s3], $0x278  }
0x16: {  	[sflag:s3] =	ssyncset.done $0x0  }
0x17: {  	[sflag:s3] =	ssyncadd.s32 $0xFFFFFD88  }
0x18: {  	[tilespmem:s7], [sflag:$0x1] =	stream.indirect.gather [hbm4b:s5+s6], $0x80, s2, s6, $0xb8;
	[tilespmem:$0x13E80] =	vst v63  }
0x19: {  	_ =	swait.ge [sflag:s8], $0x13C00  }
.Ltmp1:
0x1a: {  	[sflag:s8] =	ssyncset.done $0x0;
	(pc) =	sbr.rel @p0 .LBB2_1-.Ltmp1, $4  }
0x1b: {  	[sflag:s8] =	ssyncadd.s32 $0xFFFEC400  }
0x1c: {  	[hbm4b:s9+s2] =	stream.linear.scatter [tilespmem:s7], [sflag:$0x2], $0x13C00, $0x38;
	[tilespmem:$0x13E80] =	vst v63  }
0x1d: {  	_ =	swait.ge [sflag:s3], $0x13C00  }
0x1e: {  	[sflag:s3] =	ssyncset.done $0x0  }
.LBB2_2:
0x1f: {  	[sflag:s3] =	ssyncadd.s32 $0xFFFEC400  }
0x20: {  	_ =	sfence.sel $0x180000  }
0x21: {  	[bflag:$0x0] =	sbarrier.arrive $0xFFFF  }
0x22: {  	p0 =	sne.s32 s0, $0x0;
	_ =	strace $0x90000047  }
0x23: {  	s0 =	sadd.s32 @!p0 $0x100000, s1;
	[bflag:$0x2] =	sbarrier.arrive $0xFFFF  }
0x24: {  	[sflag:s0] =	ssyncadd.tile.s32 @!p0 $0x1;
	_ =	shalt  }
.Lfunc_end2:
_tile_overlayer_lowered:
.L_overlay_start_2:
0x25: {  	(tag) =	ssettag $0x2  }
0x26: {  	s0 =	rddreg [dreg:$0x0];
	s2 =	stileid.u32  }
0x27: {  	s1 =	rddreg [dreg:$0x1];
	p0 =	sne.s32 s2, $0x0  }
0x28: {  	s3 =	rddreg [dreg:$0x2];
	[bflag:$0x3] =	sbarrier.arrive $0xFFFF;
	s2 =	simm.s32 @!p0 $0x1C02  }
0x29: {  	[timem:s3], [sflag:s2] =	dma.local @!p0 [hbm:s0], s1  }
0x2a: {  	s0 =	simm.s32 @!p0 $0x2  }
0x2b: {  	_ =	swait.ge @!p0 [sflag:s0], s1  }
0x2c: {  	s1 =	ssub.s32 @!p0 $0x0, s1;
	[sflag:s0] =	ssyncset.done @!p0 $0x0  }
0x2d: {  	[sflag:s0] =	ssyncadd.s32 @!p0 s1  }
0x2e: {  	[bflag:$0x3] =	sbarrier.arrive $0xFFFF  }
0x2f: {  	_ =	shalt  }

</sc_bundles>
